<compile_context>
chip_gen: v7x
topology: tpu7x:2x2x1
jax: 0.10.2.dev20260603
libtpu: 0.0.44.dev20260713+nightly
codegen_flags: <defaults>
</compile_context>

<pallas_src>
import functools

import jax
import jax.numpy as jnp
from jax import lax
from jax.experimental import pallas as pl
from jax.experimental.pallas import tpu as pltpu
from jax.experimental.pallas import tpu_sc as plsc

B = 16384
D = 128
D2 = 2 * D
NC = 2
NS = 16
NW = NC * NS
CH = 128


@functools.cache
def _make_gather(nb, cbase0):
    bpw = nb // NW
    nch = bpw // CH
    mesh = plsc.VectorSubcoreMesh(core_axis_name="c", subcore_axis_name="s")

    @functools.partial(
        pl.kernel,
        mesh=mesh,
        out_type=jax.ShapeDtypeStruct((nb, D2), jnp.float32),
        scratch_types=[
            pltpu.VMEM((nch, CH), jnp.int32),
            pltpu.VMEM((nch, CH), jnp.int32),
            pltpu.VMEM((CH, D), jnp.float32),
            pltpu.VMEM((CH, D), jnp.float32),
            pltpu.VMEM((CH, D), jnp.float32),
            pltpu.VMEM((CH, D), jnp.float32),
            pltpu.SemaphoreType.DMA,
            pltpu.SemaphoreType.DMA,
        ],
    )
    def gather_k(uids2, bids2, utab, btab, x_out,
                 uidx_v, bidx_v, ur0, ur1, br0, br1, sg, sw):
        wid = lax.axis_index("s") * NC + lax.axis_index("c")
        cbase = wid * nch
        pltpu.sync_copy(uids2.at[pl.ds(cbase0 + cbase, nch)], uidx_v)
        pltpu.sync_copy(bids2.at[pl.ds(cbase0 + cbase, nch)], bidx_v)
        ubufs, bbufs = (ur0, ur1), (br0, br1)
        gathers = {}
        writes = {}

        def fire_gather(c):
            gu = pltpu.async_copy(utab.at[uidx_v.at[c]], ubufs[c % 2], sg)
            gb = pltpu.async_copy(btab.at[bidx_v.at[c]], bbufs[c % 2], sg)
            gathers[c] = (gu, gb)

        fire_gather(0)
        for c in range(nch):
            if c + 1 < nch:
                if c - 1 >= 0:
                    for w in writes.pop(c - 1):
                        w.wait()
                fire_gather(c + 1)
            gu, gb = gathers.pop(c)
            gu.wait()
            gb.wait()
            off = (cbase + c) * CH
            wu = pltpu.async_copy(
                ubufs[c % 2], x_out.at[pl.ds(off, CH), pl.ds(0, D)], sw)
            wb = pltpu.async_copy(
                bbufs[c % 2], x_out.at[pl.ds(off, CH), pl.ds(D, D)], sw)
            writes[c] = (wu, wb)
        for c in sorted(writes):
            for w in writes[c]:
                w.wait()

    return gather_k


CHUNK = 1024


def _mlp_body(x_ref, w0_ref, b0_ref, w1_ref, b1_ref,
              w2_ref, b2_ref, w3_ref, b3_ref, prev_ref, out_ref):
    bf = jnp.bfloat16
    h = jnp.dot(x_ref[...].astype(bf), w0_ref[...],
                preferred_element_type=jnp.float32)
    h = jnp.maximum(h + b0_ref[...][None, :], 0.0)
    h = jnp.dot(h.astype(bf), w1_ref[...], preferred_element_type=jnp.float32)
    h = jnp.maximum(h + b1_ref[...][None, :], 0.0)
    h = jnp.dot(h.astype(bf), w2_ref[...], preferred_element_type=jnp.float32)
    h = jnp.maximum(h + b2_ref[...][None, :], 0.0)
    r = jax.lax.dot_general(w3_ref[...], h.astype(bf),
                            dimension_numbers=(((1,), (1,)), ((), ())),
                            preferred_element_type=jnp.float32)
    out_ref[...] = r[0] + b3_ref[0, 0]


def _mlp(nb, bofs, x, W0, b0, W1, b1, W2, b2, w3, b3, prev):
    return pl.pallas_call(
        _mlp_body,
        grid=(nb // CHUNK,),
        in_specs=[
            pl.BlockSpec((CHUNK, D2), lambda i: (i, 0)),
            pl.BlockSpec((D2, 512), lambda i: (0, 0)),
            pl.BlockSpec((512,), lambda i: (0,)),
            pl.BlockSpec((512, 256), lambda i: (0, 0)),
            pl.BlockSpec((256,), lambda i: (0,)),
            pl.BlockSpec((256, 128), lambda i: (0, 0)),
            pl.BlockSpec((128,), lambda i: (0,)),
            pl.BlockSpec((1, 128), lambda i: (0, 0)),
            pl.BlockSpec((1, 1), lambda i: (0, 0)),
            pl.BlockSpec(memory_space=pl.ANY),
        ],
        out_specs=pl.BlockSpec((CHUNK,), lambda i: (i + bofs,)),
        out_shape=jax.ShapeDtypeStruct((B,), jnp.float32),
        input_output_aliases={9: 0},
        compiler_params=pltpu.CompilerParams(
            dimension_semantics=("parallel",),
        ),
    )(x, W0, b0, W1, b1, W2, b2, w3, b3, prev)


NSPLIT = 2


def kernel(user_ids, book_ids, user_table, book_table,
           W0, b0, W1, b1, W2, b2, W3, b3):
    bf = jnp.bfloat16
    w = (W0.astype(bf), b0, W1.astype(bf), b1, W2.astype(bf), b2,
         W3.reshape(1, 128).astype(bf), b3[None, :])
    h = B // NSPLIT
    uids2 = user_ids.astype(jnp.int32).reshape(-1, CH)
    bids2 = book_ids.astype(jnp.int32).reshape(-1, CH)
    rph = h // CH
    out = jnp.zeros((B,), jnp.float32)
    for s in range(NSPLIT):
        x = _make_gather(h, s * rph)(uids2, bids2, user_table, book_table)
        out = _mlp(h, s * (h // CHUNK), x, *w, out)
    return out

# --- scband reference (transcript-rebuilt; emitter-appended) ---
"""Pipeline reference for scband-ncf-16527034155451 (READ-ONLY COPY).

The authoritative reference and input builder live on the scoring server;
editing this copy changes nothing except your own understanding.
"""

import jax, jax.numpy as jnp
import numpy as np

N_USERS = 100000
N_BOOKS = 100000
EMBED_DIM = 128
HIDDEN = [512, 256, 128]
BATCH = 16384

def setup_inputs(seed: int = 0) -> dict:
    key = jax.random.key(seed)
    ks = jax.random.split(key, 16)
    user_ids = jax.random.randint(ks[0], (BATCH,), 0, N_USERS, dtype=jnp.int64 if jax.config.read('jax_enable_x64') else jnp.int32)
    book_ids = jax.random.randint(ks[1], (BATCH,), 0, N_BOOKS, dtype=jnp.int64 if jax.config.read('jax_enable_x64') else jnp.int32)
    # xavier-uniform-ish embedding tables
    lim_u = float(np.sqrt(6.0 / (N_USERS + EMBED_DIM)))
    lim_b = float(np.sqrt(6.0 / (N_BOOKS + EMBED_DIM)))
    user_table = jax.random.uniform(ks[2], (N_USERS, EMBED_DIM), jnp.float32, -lim_u, lim_u)
    book_table = jax.random.uniform(ks[3], (N_BOOKS, EMBED_DIM), jnp.float32, -lim_b, lim_b)
    dims = [EMBED_DIM * 2] + HIDDEN + [1]
    params = {}
    for i in range(len(dims) - 1):
        fan_in, fan_out = dims[i], dims[i + 1]
        lim = float(np.sqrt(6.0 / (fan_in + fan_out)))
        params[f'W{i}'] = jax.random.uniform(ks[4 + 2 * i], (fan_in, fan_out), jnp.float32, -lim, lim)
        params[f'b{i}'] = jnp.zeros((fan_out,), jnp.float32)
    out = {'user_ids': user_ids, 'book_ids': book_ids, 'user_table': user_table, 'book_table': book_table}
    out.update(params)
    return out

def reference(user_ids, book_ids, user_table, book_table, W0, b0, W1, b1, W2, b2, W3, b3):
    u = jnp.take(user_table, user_ids, axis=0)
    b = jnp.take(book_table, book_ids, axis=0)
    x = jnp.concatenate([u, b], axis=1)
    # hidden layers: Linear -> ReLU -> Dropout(eval: identity)
    x = jax.nn.relu(x @ W0 + b0)
    x = jax.nn.relu(x @ W1 + b1)
    x = jax.nn.relu(x @ W2 + b2)
    x = x @ W3 + b3
    return jnp.squeeze(x, axis=-1)

if __name__ == "__main__":
    import jax
    _d = setup_inputs()
    print(jax.jit(kernel)(*tuple(_d.values())))

</pallas_src>

<mosaic_0001>
#map = affine_map<(d0, d1) -> (0, 0)>
module attributes {stable_mosaic.version = 14 : i64} {
  func.func @gather_k(%arg0: i32, %arg1: i32, %arg2: memref<128x128xi32, #tpu.memory_space<hbm>>, %arg3: memref<128x128xi32, #tpu.memory_space<hbm>>, %arg4: memref<100000x128xf32, #tpu.memory_space<hbm>>, %arg5: memref<100000x128xf32, #tpu.memory_space<hbm>>, %arg6: memref<8192x256xf32, #tpu.memory_space<hbm>>, %arg7: memref<2x128xi32, #tpu.memory_space<vmem>>, %arg8: memref<2x128xi32, #tpu.memory_space<vmem>>, %arg9: memref<128x128xf32, #tpu.memory_space<vmem>>, %arg10: memref<128x128xf32, #tpu.memory_space<vmem>>, %arg11: memref<128x128xf32, #tpu.memory_space<vmem>>, %arg12: memref<128x128xf32, #tpu.memory_space<vmem>>, %arg13: memref<!tpu.dma_semaphore, #tpu.memory_space<semaphore_mem>>, %arg14: memref<!tpu.dma_semaphore, #tpu.memory_space<semaphore_mem>>) attributes {dimension_semantics = [#tpu.dimension_semantics<core_parallel>, #tpu.dimension_semantics<subcore_parallel>], iteration_bounds = array<i64: 2, 16>, scalar_prefetch = 0 : i64, scratch_operands = 8 : i64, tpu.core_type = #tpu.core_type<sc_vector_subcore>, window_params = [{transform_indices = #map}, {transform_indices = #map}, {transform_indices = #map}, {transform_indices = #map}, {transform_indices = #map}]} {
    %mul3A = arith.constant 2 : i32
    %mul3A_0 = arith.muli %arg1, %mul3A : i32
    %add3A = arith.addi %mul3A_0, %arg0 : i32
    %mul3A_1 = arith.constant 2 : i32
    %mul3A_2 = arith.muli %add3A, %mul3A_1 : i32
    %add3A_3 = arith.constant 64 : i32
    %add3A_4 = arith.addi %add3A_3, %mul3A_2 : i32
    "tpu.region"() ({
      %run_scoped3A = tpu.sem_alloc : memref<!tpu.dma_semaphore, #tpu.memory_space<semaphore_mem>>
      %dma_start3A_101 = arith.constant 0 : i32
      %dma_start3A_102 = tpu.memref_slice %arg2[%add3A_4, %dma_start3A_101] : memref<128x128xi32, #tpu.memory_space<hbm>> -> memref<2x128xi32, #tpu.memory_space<hbm>>
      %dma_start3A_103 = arith.constant 0 : i32
      %dma_start3A_104 = tpu.memref_slice %arg2[%add3A_4, %dma_start3A_103] : memref<128x128xi32, #tpu.memory_space<hbm>> -> memref<2x128xi32, #tpu.memory_space<hbm>>
      tpu.enqueue_dma source(%dma_start3A_104 : memref<2x128xi32, #tpu.memory_space<hbm>>) target(%arg7 : memref<2x128xi32, #tpu.memory_space<vmem>>) target_semaphore(%run_scoped3A : memref<!tpu.dma_semaphore, #tpu.memory_space<semaphore_mem>>)
      %dma_wait3A_105 = arith.constant 0 : i32
      %dma_wait3A_106 = tpu.memref_slice %arg2[%add3A_4, %dma_wait3A_105] : memref<128x128xi32, #tpu.memory_space<hbm>> -> memref<2x128xi32, #tpu.memory_space<hbm>>
      %dma_wait3A_107 = arith.constant 0 : i32
      %dma_wait3A_108 = tpu.memref_slice %arg2[%add3A_4, %dma_wait3A_107] : memref<128x128xi32, #tpu.memory_space<hbm>> -> memref<2x128xi32, #tpu.memory_space<hbm>>
      tpu.wait_dma2 semaphore(%run_scoped3A : memref<!tpu.dma_semaphore, #tpu.memory_space<semaphore_mem>>) src(%dma_wait3A_108 : memref<2x128xi32, #tpu.memory_space<hbm>>) dst(%arg7 : memref<2x128xi32, #tpu.memory_space<vmem>>)
      tpu.yield
    }) : () -> ()
    %add3A_5 = arith.constant 64 : i32
    %add3A_6 = arith.addi %add3A_5, %mul3A_2 : i32
    "tpu.region"() ({
      %run_scoped3A = tpu.sem_alloc : memref<!tpu.dma_semaphore, #tpu.memory_space<semaphore_mem>>
      %dma_start3A_101 = arith.constant 0 : i32
      %dma_start3A_102 = tpu.memref_slice %arg3[%add3A_6, %dma_start3A_101] : memref<128x128xi32, #tpu.memory_space<hbm>> -> memref<2x128xi32, #tpu.memory_space<hbm>>
      %dma_start3A_103 = arith.constant 0 : i32
      %dma_start3A_104 = tpu.memref_slice %arg3[%add3A_6, %dma_start3A_103] : memref<128x128xi32, #tpu.memory_space<hbm>> -> memref<2x128xi32, #tpu.memory_space<hbm>>
      tpu.enqueue_dma source(%dma_start3A_104 : memref<2x128xi32, #tpu.memory_space<hbm>>) target(%arg8 : memref<2x128xi32, #tpu.memory_space<vmem>>) target_semaphore(%run_scoped3A : memref<!tpu.dma_semaphore, #tpu.memory_space<semaphore_mem>>)
      %dma_wait3A_105 = arith.constant 0 : i32
      %dma_wait3A_106 = tpu.memref_slice %arg3[%add3A_6, %dma_wait3A_105] : memref<128x128xi32, #tpu.memory_space<hbm>> -> memref<2x128xi32, #tpu.memory_space<hbm>>
      %dma_wait3A_107 = arith.constant 0 : i32
      %dma_wait3A_108 = tpu.memref_slice %arg3[%add3A_6, %dma_wait3A_107] : memref<128x128xi32, #tpu.memory_space<hbm>> -> memref<2x128xi32, #tpu.memory_space<hbm>>
      tpu.wait_dma2 semaphore(%run_scoped3A : memref<!tpu.dma_semaphore, #tpu.memory_space<semaphore_mem>>) src(%dma_wait3A_108 : memref<2x128xi32, #tpu.memory_space<hbm>>) dst(%arg8 : memref<2x128xi32, #tpu.memory_space<vmem>>)
      tpu.yield
    }) : () -> ()
    %dma_start3A = arith.constant 0 : i32
    %dma_start3A_7 = arith.constant 0 : i32
    %dma_start3A_8 = tpu.memref_slice %arg7[%dma_start3A, %dma_start3A_7] : memref<2x128xi32, #tpu.memory_space<vmem>> -> memref<1x128xi32, #tpu.memory_space<vmem>>
    %dma_start3A_9 = tpu.memref_squeeze %dma_start3A_8 : memref<1x128xi32, #tpu.memory_space<vmem>> -> memref<128xi32, #tpu.memory_space<vmem>>
    %dma_start3A_10 = arith.constant 0 : i32
    %dma_start3A_11 = arith.constant 0 : i32
    %dma_start3A_12 = tpu.memref_slice %arg4[%dma_start3A_10, %dma_start3A_11] : memref<100000x128xf32, #tpu.memory_space<hbm>> -> memref<100000x128xf32, #tpu.memory_space<hbm>>
    tpu.enqueue_indirect_dma source(%dma_start3A_12 : memref<100000x128xf32, #tpu.memory_space<hbm>>) target(%arg9 : memref<128x128xf32, #tpu.memory_space<vmem>>) offsets(%dma_start3A_9 : memref<128xi32, #tpu.memory_space<vmem>>) semaphore(%arg13 : memref<!tpu.dma_semaphore, #tpu.memory_space<semaphore_mem>>)
    %dma_start3A_13 = arith.constant 0 : i32
    %dma_start3A_14 = arith.constant 0 : i32
    %dma_start3A_15 = tpu.memref_slice %arg8[%dma_start3A_13, %dma_start3A_14] : memref<2x128xi32, #tpu.memory_space<vmem>> -> memref<1x128xi32, #tpu.memory_space<vmem>>
    %dma_start3A_16 = tpu.memref_squeeze %dma_start3A_15 : memref<1x128xi32, #tpu.memory_space<vmem>> -> memref<128xi32, #tpu.memory_space<vmem>>
    %dma_start3A_17 = arith.constant 0 : i32
    %dma_start3A_18 = arith.constant 0 : i32
    %dma_start3A_19 = tpu.memref_slice %arg5[%dma_start3A_17, %dma_start3A_18] : memref<100000x128xf32, #tpu.memory_space<hbm>> -> memref<100000x128xf32, #tpu.memory_space<hbm>>
    tpu.enqueue_indirect_dma source(%dma_start3A_19 : memref<100000x128xf32, #tpu.memory_space<hbm>>) target(%arg11 : memref<128x128xf32, #tpu.memory_space<vmem>>) offsets(%dma_start3A_16 : memref<128xi32, #tpu.memory_space<vmem>>) semaphore(%arg13 : memref<!tpu.dma_semaphore, #tpu.memory_space<semaphore_mem>>)
    %dma_start3A_20 = arith.constant 1 : i32
    %dma_start3A_21 = arith.constant 0 : i32
    %dma_start3A_22 = tpu.memref_slice %arg7[%dma_start3A_20, %dma_start3A_21] : memref<2x128xi32, #tpu.memory_space<vmem>> -> memref<1x128xi32, #tpu.memory_space<vmem>>
    %dma_start3A_23 = tpu.memref_squeeze %dma_start3A_22 : memref<1x128xi32, #tpu.memory_space<vmem>> -> memref<128xi32, #tpu.memory_space<vmem>>
    %dma_start3A_24 = arith.constant 0 : i32
    %dma_start3A_25 = arith.constant 0 : i32
    %dma_start3A_26 = tpu.memref_slice %arg4[%dma_start3A_24, %dma_start3A_25] : memref<100000x128xf32, #tpu.memory_space<hbm>> -> memref<100000x128xf32, #tpu.memory_space<hbm>>
    tpu.enqueue_indirect_dma source(%dma_start3A_26 : memref<100000x128xf32, #tpu.memory_space<hbm>>) target(%arg10 : memref<128x128xf32, #tpu.memory_space<vmem>>) offsets(%dma_start3A_23 : memref<128xi32, #tpu.memory_space<vmem>>) semaphore(%arg13 : memref<!tpu.dma_semaphore, #tpu.memory_space<semaphore_mem>>)
    %dma_start3A_27 = arith.constant 1 : i32
    %dma_start3A_28 = arith.constant 0 : i32
    %dma_start3A_29 = tpu.memref_slice %arg8[%dma_start3A_27, %dma_start3A_28] : memref<2x128xi32, #tpu.memory_space<vmem>> -> memref<1x128xi32, #tpu.memory_space<vmem>>
    %dma_start3A_30 = tpu.memref_squeeze %dma_start3A_29 : memref<1x128xi32, #tpu.memory_space<vmem>> -> memref<128xi32, #tpu.memory_space<vmem>>
    %dma_start3A_31 = arith.constant 0 : i32
    %dma_start3A_32 = arith.constant 0 : i32
    %dma_start3A_33 = tpu.memref_slice %arg5[%dma_start3A_31, %dma_start3A_32] : memref<100000x128xf32, #tpu.memory_space<hbm>> -> memref<100000x128xf32, #tpu.memory_space<hbm>>
    tpu.enqueue_indirect_dma source(%dma_start3A_33 : memref<100000x128xf32, #tpu.memory_space<hbm>>) target(%arg12 : memref<128x128xf32, #tpu.memory_space<vmem>>) offsets(%dma_start3A_30 : memref<128xi32, #tpu.memory_space<vmem>>) semaphore(%arg13 : memref<!tpu.dma_semaphore, #tpu.memory_space<semaphore_mem>>)
    %dma_wait3A = arith.constant 0 : i32
    %dma_wait3A_34 = arith.constant 0 : i32
    %dma_wait3A_35 = tpu.memref_slice %arg7[%dma_wait3A, %dma_wait3A_34] : memref<2x128xi32, #tpu.memory_space<vmem>> -> memref<1x128xi32, #tpu.memory_space<vmem>>
    %dma_wait3A_36 = tpu.memref_squeeze %dma_wait3A_35 : memref<1x128xi32, #tpu.memory_space<vmem>> -> memref<128xi32, #tpu.memory_space<vmem>>
    %dma_wait3A_37 = arith.constant 0 : i32
    %dma_wait3A_38 = arith.constant 0 : i32
    %dma_wait3A_39 = tpu.memref_slice %arg4[%dma_wait3A_37, %dma_wait3A_38] : memref<100000x128xf32, #tpu.memory_space<hbm>> -> memref<100000x128xf32, #tpu.memory_space<hbm>>
    tpu.wait_indirect_dma semaphore(%arg13 : memref<!tpu.dma_semaphore, #tpu.memory_space<semaphore_mem>>) src(%dma_wait3A_39 : memref<100000x128xf32, #tpu.memory_space<hbm>>) dst(%arg9 : memref<128x128xf32, #tpu.memory_space<vmem>>)
    %dma_wait3A_40 = arith.constant 0 : i32
    %dma_wait3A_41 = arith.constant 0 : i32
    %dma_wait3A_42 = tpu.memref_slice %arg8[%dma_wait3A_40, %dma_wait3A_41] : memref<2x128xi32, #tpu.memory_space<vmem>> -> memref<1x128xi32, #tpu.memory_space<vmem>>
    %dma_wait3A_43 = tpu.memref_squeeze %dma_wait3A_42 : memref<1x128xi32, #tpu.memory_space<vmem>> -> memref<128xi32, #tpu.memory_space<vmem>>
    %dma_wait3A_44 = arith.constant 0 : i32
    %dma_wait3A_45 = arith.constant 0 : i32
    %dma_wait3A_46 = tpu.memref_slice %arg5[%dma_wait3A_44, %dma_wait3A_45] : memref<100000x128xf32, #tpu.memory_space<hbm>> -> memref<100000x128xf32, #tpu.memory_space<hbm>>
    tpu.wait_indirect_dma semaphore(%arg13 : memref<!tpu.dma_semaphore, #tpu.memory_space<semaphore_mem>>) src(%dma_wait3A_46 : memref<100000x128xf32, #tpu.memory_space<hbm>>) dst(%arg11 : memref<128x128xf32, #tpu.memory_space<vmem>>)
    %add3A_47 = arith.constant 0 : i32
    %add3A_48 = arith.addi %mul3A_2, %add3A_47 : i32
    %mul3A_49 = arith.constant 128 : i32
    %mul3A_50 = arith.muli %add3A_48, %mul3A_49 : i32
    %dma_start3A_51 = arith.constant 0 : i32
    %dma_start3A_52 = tpu.memref_slice %arg6[%mul3A_50, %dma_start3A_51] : memref<8192x256xf32, #tpu.memory_space<hbm>> -> memref<128x128xf32, #tpu.memory_space<hbm>>
    %dma_start3A_53 = arith.constant 0 : i32
    %dma_start3A_54 = tpu.memref_slice %arg6[%mul3A_50, %dma_start3A_53] : memref<8192x256xf32, #tpu.memory_space<hbm>> -> memref<128x128xf32, #tpu.memory_space<hbm>>
    tpu.enqueue_dma source(%arg9 : memref<128x128xf32, #tpu.memory_space<vmem>>) target(%dma_start3A_54 : memref<128x128xf32, #tpu.memory_space<hbm>>) target_semaphore(%arg14 : memref<!tpu.dma_semaphore, #tpu.memory_space<semaphore_mem>>)
    %dma_start3A_55 = arith.constant 128 : i32
    %dma_start3A_56 = tpu.memref_slice %arg6[%mul3A_50, %dma_start3A_55] : memref<8192x256xf32, #tpu.memory_space<hbm>> -> memref<128x128xf32, #tpu.memory_space<hbm>>
    %dma_start3A_57 = arith.constant 128 : i32
    %dma_start3A_58 = tpu.memref_slice %arg6[%mul3A_50, %dma_start3A_57] : memref<8192x256xf32, #tpu.memory_space<hbm>> -> memref<128x128xf32, #tpu.memory_space<hbm>>
    tpu.enqueue_dma source(%arg11 : memref<128x128xf32, #tpu.memory_space<vmem>>) target(%dma_start3A_58 : memref<128x128xf32, #tpu.memory_space<hbm>>) target_semaphore(%arg14 : memref<!tpu.dma_semaphore, #tpu.memory_space<semaphore_mem>>)
    %dma_wait3A_59 = arith.constant 1 : i32
    %dma_wait3A_60 = arith.constant 0 : i32
    %dma_wait3A_61 = tpu.memref_slice %arg7[%dma_wait3A_59, %dma_wait3A_60] : memref<2x128xi32, #tpu.memory_space<vmem>> -> memref<1x128xi32, #tpu.memory_space<vmem>>
    %dma_wait3A_62 = tpu.memref_squeeze %dma_wait3A_61 : memref<1x128xi32, #tpu.memory_space<vmem>> -> memref<128xi32, #tpu.memory_space<vmem>>
    %dma_wait3A_63 = arith.constant 0 : i32
    %dma_wait3A_64 = arith.constant 0 : i32
    %dma_wait3A_65 = tpu.memref_slice %arg4[%dma_wait3A_63, %dma_wait3A_64] : memref<100000x128xf32, #tpu.memory_space<hbm>> -> memref<100000x128xf32, #tpu.memory_space<hbm>>
    tpu.wait_indirect_dma semaphore(%arg13 : memref<!tpu.dma_semaphore, #tpu.memory_space<semaphore_mem>>) src(%dma_wait3A_65 : memref<100000x128xf32, #tpu.memory_space<hbm>>) dst(%arg10 : memref<128x128xf32, #tpu.memory_space<vmem>>)
    %dma_wait3A_66 = arith.constant 1 : i32
    %dma_wait3A_67 = arith.constant 0 : i32
    %dma_wait3A_68 = tpu.memref_slice %arg8[%dma_wait3A_66, %dma_wait3A_67] : memref<2x128xi32, #tpu.memory_space<vmem>> -> memref<1x128xi32, #tpu.memory_space<vmem>>
    %dma_wait3A_69 = tpu.memref_squeeze %dma_wait3A_68 : memref<1x128xi32, #tpu.memory_space<vmem>> -> memref<128xi32, #tpu.memory_space<vmem>>
    %dma_wait3A_70 = arith.constant 0 : i32
    %dma_wait3A_71 = arith.constant 0 : i32
    %dma_wait3A_72 = tpu.memref_slice %arg5[%dma_wait3A_70, %dma_wait3A_71] : memref<100000x128xf32, #tpu.memory_space<hbm>> -> memref<100000x128xf32, #tpu.memory_space<hbm>>
    tpu.wait_indirect_dma semaphore(%arg13 : memref<!tpu.dma_semaphore, #tpu.memory_space<semaphore_mem>>) src(%dma_wait3A_72 : memref<100000x128xf32, #tpu.memory_space<hbm>>) dst(%arg12 : memref<128x128xf32, #tpu.memory_space<vmem>>)
    %add3A_73 = arith.constant 1 : i32
    %add3A_74 = arith.addi %mul3A_2, %add3A_73 : i32
    %mul3A_75 = arith.constant 128 : i32
    %mul3A_76 = arith.muli %add3A_74, %mul3A_75 : i32
    %dma_start3A_77 = arith.constant 0 : i32
    %dma_start3A_78 = tpu.memref_slice %arg6[%mul3A_76, %dma_start3A_77] : memref<8192x256xf32, #tpu.memory_space<hbm>> -> memref<128x128xf32, #tpu.memory_space<hbm>>
    %dma_start3A_79 = arith.constant 0 : i32
    %dma_start3A_80 = tpu.memref_slice %arg6[%mul3A_76, %dma_start3A_79] : memref<8192x256xf32, #tpu.memory_space<hbm>> -> memref<128x128xf32, #tpu.memory_space<hbm>>
    tpu.enqueue_dma source(%arg10 : memref<128x128xf32, #tpu.memory_space<vmem>>) target(%dma_start3A_80 : memref<128x128xf32, #tpu.memory_space<hbm>>) target_semaphore(%arg14 : memref<!tpu.dma_semaphore, #tpu.memory_space<semaphore_mem>>)
    %dma_start3A_81 = arith.constant 128 : i32
    %dma_start3A_82 = tpu.memref_slice %arg6[%mul3A_76, %dma_start3A_81] : memref<8192x256xf32, #tpu.memory_space<hbm>> -> memref<128x128xf32, #tpu.memory_space<hbm>>
    %dma_start3A_83 = arith.constant 128 : i32
    %dma_start3A_84 = tpu.memref_slice %arg6[%mul3A_76, %dma_start3A_83] : memref<8192x256xf32, #tpu.memory_space<hbm>> -> memref<128x128xf32, #tpu.memory_space<hbm>>
    tpu.enqueue_dma source(%arg12 : memref<128x128xf32, #tpu.memory_space<vmem>>) target(%dma_start3A_84 : memref<128x128xf32, #tpu.memory_space<hbm>>) target_semaphore(%arg14 : memref<!tpu.dma_semaphore, #tpu.memory_space<semaphore_mem>>)
    %dma_wait3A_85 = arith.constant 0 : i32
    %dma_wait3A_86 = tpu.memref_slice %arg6[%mul3A_50, %dma_wait3A_85] : memref<8192x256xf32, #tpu.memory_space<hbm>> -> memref<128x128xf32, #tpu.memory_space<hbm>>
    %dma_wait3A_87 = arith.constant 0 : i32
    %dma_wait3A_88 = tpu.memref_slice %arg6[%mul3A_50, %dma_wait3A_87] : memref<8192x256xf32, #tpu.memory_space<hbm>> -> memref<128x128xf32, #tpu.memory_space<hbm>>
    tpu.wait_dma2 semaphore(%arg14 : memref<!tpu.dma_semaphore, #tpu.memory_space<semaphore_mem>>) src(%arg9 : memref<128x128xf32, #tpu.memory_space<vmem>>) dst(%dma_wait3A_88 : memref<128x128xf32, #tpu.memory_space<hbm>>)
    %dma_wait3A_89 = arith.constant 128 : i32
    %dma_wait3A_90 = tpu.memref_slice %arg6[%mul3A_50, %dma_wait3A_89] : memref<8192x256xf32, #tpu.memory_space<hbm>> -> memref<128x128xf32, #tpu.memory_space<hbm>>
    %dma_wait3A_91 = arith.constant 128 : i32
    %dma_wait3A_92 = tpu.memref_slice %arg6[%mul3A_50, %dma_wait3A_91] : memref<8192x256xf32, #tpu.memory_space<hbm>> -> memref<128x128xf32, #tpu.memory_space<hbm>>
    tpu.wait_dma2 semaphore(%arg14 : memref<!tpu.dma_semaphore, #tpu.memory_space<semaphore_mem>>) src(%arg11 : memref<128x128xf32, #tpu.memory_space<vmem>>) dst(%dma_wait3A_92 : memref<128x128xf32, #tpu.memory_space<hbm>>)
    %dma_wait3A_93 = arith.constant 0 : i32
    %dma_wait3A_94 = tpu.memref_slice %arg6[%mul3A_76, %dma_wait3A_93] : memref<8192x256xf32, #tpu.memory_space<hbm>> -> memref<128x128xf32, #tpu.memory_space<hbm>>
    %dma_wait3A_95 = arith.constant 0 : i32
    %dma_wait3A_96 = tpu.memref_slice %arg6[%mul3A_76, %dma_wait3A_95] : memref<8192x256xf32, #tpu.memory_space<hbm>> -> memref<128x128xf32, #tpu.memory_space<hbm>>
    tpu.wait_dma2 semaphore(%arg14 : memref<!tpu.dma_semaphore, #tpu.memory_space<semaphore_mem>>) src(%arg10 : memref<128x128xf32, #tpu.memory_space<vmem>>) dst(%dma_wait3A_96 : memref<128x128xf32, #tpu.memory_space<hbm>>)
    %dma_wait3A_97 = arith.constant 128 : i32
    %dma_wait3A_98 = tpu.memref_slice %arg6[%mul3A_76, %dma_wait3A_97] : memref<8192x256xf32, #tpu.memory_space<hbm>> -> memref<128x128xf32, #tpu.memory_space<hbm>>
    %dma_wait3A_99 = arith.constant 128 : i32
    %dma_wait3A_100 = tpu.memref_slice %arg6[%mul3A_76, %dma_wait3A_99] : memref<8192x256xf32, #tpu.memory_space<hbm>> -> memref<128x128xf32, #tpu.memory_space<hbm>>
    tpu.wait_dma2 semaphore(%arg14 : memref<!tpu.dma_semaphore, #tpu.memory_space<semaphore_mem>>) src(%arg12 : memref<128x128xf32, #tpu.memory_space<vmem>>) dst(%dma_wait3A_100 : memref<128x128xf32, #tpu.memory_space<hbm>>)
    return
  }
}

#map = affine_map<(d0, d1) -> (0, 0)>
module attributes {stable_mosaic.version = 14 : i64} {
  func.func @gather_k(%arg0: i32, %arg1: i32, %arg2: memref<128x128xi32, #tpu.memory_space<hbm>>, %arg3: memref<128x128xi32, #tpu.memory_space<hbm>>, %arg4: memref<100000x128xf32, #tpu.memory_space<hbm>>, %arg5: memref<100000x128xf32, #tpu.memory_space<hbm>>, %arg6: memref<8192x256xf32, #tpu.memory_space<hbm>>, %arg7: memref<2x128xi32, #tpu.memory_space<vmem>>, %arg8: memref<2x128xi32, #tpu.memory_space<vmem>>, %arg9: memref<128x128xf32, #tpu.memory_space<vmem>>, %arg10: memref<128x128xf32, #tpu.memory_space<vmem>>, %arg11: memref<128x128xf32, #tpu.memory_space<vmem>>, %arg12: memref<128x128xf32, #tpu.memory_space<vmem>>, %arg13: memref<!tpu.dma_semaphore, #tpu.memory_space<semaphore_mem>>, %arg14: memref<!tpu.dma_semaphore, #tpu.memory_space<semaphore_mem>>) attributes {dimension_semantics = [#tpu.dimension_semantics<core_parallel>, #tpu.dimension_semantics<subcore_parallel>], iteration_bounds = array<i64: 2, 16>, scalar_prefetch = 0 : i64, scratch_operands = 8 : i64, tpu.core_type = #tpu.core_type<sc_vector_subcore>, window_params = [{transform_indices = #map}, {transform_indices = #map}, {transform_indices = #map}, {transform_indices = #map}, {transform_indices = #map}]} {
    %mul3A = arith.constant 2 : i32
    %mul3A_0 = arith.muli %arg1, %mul3A : i32
    %add3A = arith.addi %mul3A_0, %arg0 : i32
    %mul3A_1 = arith.constant 2 : i32
    %mul3A_2 = arith.muli %add3A, %mul3A_1 : i32
    %add3A_3 = arith.constant 0 : i32
    %add3A_4 = arith.addi %add3A_3, %mul3A_2 : i32
    "tpu.region"() ({
      %run_scoped3A = tpu.sem_alloc : memref<!tpu.dma_semaphore, #tpu.memory_space<semaphore_mem>>
      %dma_start3A_101 = arith.constant 0 : i32
      %dma_start3A_102 = tpu.memref_slice %arg2[%add3A_4, %dma_start3A_101] : memref<128x128xi32, #tpu.memory_space<hbm>> -> memref<2x128xi32, #tpu.memory_space<hbm>>
      %dma_start3A_103 = arith.constant 0 : i32
      %dma_start3A_104 = tpu.memref_slice %arg2[%add3A_4, %dma_start3A_103] : memref<128x128xi32, #tpu.memory_space<hbm>> -> memref<2x128xi32, #tpu.memory_space<hbm>>
      tpu.enqueue_dma source(%dma_start3A_104 : memref<2x128xi32, #tpu.memory_space<hbm>>) target(%arg7 : memref<2x128xi32, #tpu.memory_space<vmem>>) target_semaphore(%run_scoped3A : memref<!tpu.dma_semaphore, #tpu.memory_space<semaphore_mem>>)
      %dma_wait3A_105 = arith.constant 0 : i32
      %dma_wait3A_106 = tpu.memref_slice %arg2[%add3A_4, %dma_wait3A_105] : memref<128x128xi32, #tpu.memory_space<hbm>> -> memref<2x128xi32, #tpu.memory_space<hbm>>
      %dma_wait3A_107 = arith.constant 0 : i32
      %dma_wait3A_108 = tpu.memref_slice %arg2[%add3A_4, %dma_wait3A_107] : memref<128x128xi32, #tpu.memory_space<hbm>> -> memref<2x128xi32, #tpu.memory_space<hbm>>
      tpu.wait_dma2 semaphore(%run_scoped3A : memref<!tpu.dma_semaphore, #tpu.memory_space<semaphore_mem>>) src(%dma_wait3A_108 : memref<2x128xi32, #tpu.memory_space<hbm>>) dst(%arg7 : memref<2x128xi32, #tpu.memory_space<vmem>>)
      tpu.yield
    }) : () -> ()
    %add3A_5 = arith.constant 0 : i32
    %add3A_6 = arith.addi %add3A_5, %mul3A_2 : i32
    "tpu.region"() ({
      %run_scoped3A = tpu.sem_alloc : memref<!tpu.dma_semaphore, #tpu.memory_space<semaphore_mem>>
      %dma_start3A_101 = arith.constant 0 : i32
      %dma_start3A_102 = tpu.memref_slice %arg3[%add3A_6, %dma_start3A_101] : memref<128x128xi32, #tpu.memory_space<hbm>> -> memref<2x128xi32, #tpu.memory_space<hbm>>
      %dma_start3A_103 = arith.constant 0 : i32
      %dma_start3A_104 = tpu.memref_slice %arg3[%add3A_6, %dma_start3A_103] : memref<128x128xi32, #tpu.memory_space<hbm>> -> memref<2x128xi32, #tpu.memory_space<hbm>>
      tpu.enqueue_dma source(%dma_start3A_104 : memref<2x128xi32, #tpu.memory_space<hbm>>) target(%arg8 : memref<2x128xi32, #tpu.memory_space<vmem>>) target_semaphore(%run_scoped3A : memref<!tpu.dma_semaphore, #tpu.memory_space<semaphore_mem>>)
      %dma_wait3A_105 = arith.constant 0 : i32
      %dma_wait3A_106 = tpu.memref_slice %arg3[%add3A_6, %dma_wait3A_105] : memref<128x128xi32, #tpu.memory_space<hbm>> -> memref<2x128xi32, #tpu.memory_space<hbm>>
      %dma_wait3A_107 = arith.constant 0 : i32
      %dma_wait3A_108 = tpu.memref_slice %arg3[%add3A_6, %dma_wait3A_107] : memref<128x128xi32, #tpu.memory_space<hbm>> -> memref<2x128xi32, #tpu.memory_space<hbm>>
      tpu.wait_dma2 semaphore(%run_scoped3A : memref<!tpu.dma_semaphore, #tpu.memory_space<semaphore_mem>>) src(%dma_wait3A_108 : memref<2x128xi32, #tpu.memory_space<hbm>>) dst(%arg8 : memref<2x128xi32, #tpu.memory_space<vmem>>)
      tpu.yield
    }) : () -> ()
    %dma_start3A = arith.constant 0 : i32
    %dma_start3A_7 = arith.constant 0 : i32
    %dma_start3A_8 = tpu.memref_slice %arg7[%dma_start3A, %dma_start3A_7] : memref<2x128xi32, #tpu.memory_space<vmem>> -> memref<1x128xi32, #tpu.memory_space<vmem>>
    %dma_start3A_9 = tpu.memref_squeeze %dma_start3A_8 : memref<1x128xi32, #tpu.memory_space<vmem>> -> memref<128xi32, #tpu.memory_space<vmem>>
    %dma_start3A_10 = arith.constant 0 : i32
    %dma_start3A_11 = arith.constant 0 : i32
    %dma_start3A_12 = tpu.memref_slice %arg4[%dma_start3A_10, %dma_start3A_11] : memref<100000x128xf32, #tpu.memory_space<hbm>> -> memref<100000x128xf32, #tpu.memory_space<hbm>>
    tpu.enqueue_indirect_dma source(%dma_start3A_12 : memref<100000x128xf32, #tpu.memory_space<hbm>>) target(%arg9 : memref<128x128xf32, #tpu.memory_space<vmem>>) offsets(%dma_start3A_9 : memref<128xi32, #tpu.memory_space<vmem>>) semaphore(%arg13 : memref<!tpu.dma_semaphore, #tpu.memory_space<semaphore_mem>>)
    %dma_start3A_13 = arith.constant 0 : i32
    %dma_start3A_14 = arith.constant 0 : i32
    %dma_start3A_15 = tpu.memref_slice %arg8[%dma_start3A_13, %dma_start3A_14] : memref<2x128xi32, #tpu.memory_space<vmem>> -> memref<1x128xi32, #tpu.memory_space<vmem>>
    %dma_start3A_16 = tpu.memref_squeeze %dma_start3A_15 : memref<1x128xi32, #tpu.memory_space<vmem>> -> memref<128xi32, #tpu.memory_space<vmem>>
    %dma_start3A_17 = arith.constant 0 : i32
    %dma_start3A_18 = arith.constant 0 : i32
    %dma_start3A_19 = tpu.memref_slice %arg5[%dma_start3A_17, %dma_start3A_18] : memref<100000x128xf32, #tpu.memory_space<hbm>> -> memref<100000x128xf32, #tpu.memory_space<hbm>>
    tpu.enqueue_indirect_dma source(%dma_start3A_19 : memref<100000x128xf32, #tpu.memory_space<hbm>>) target(%arg11 : memref<128x128xf32, #tpu.memory_space<vmem>>) offsets(%dma_start3A_16 : memref<128xi32, #tpu.memory_space<vmem>>) semaphore(%arg13 : memref<!tpu.dma_semaphore, #tpu.memory_space<semaphore_mem>>)
    %dma_start3A_20 = arith.constant 1 : i32
    %dma_start3A_21 = arith.constant 0 : i32
    %dma_start3A_22 = tpu.memref_slice %arg7[%dma_start3A_20, %dma_start3A_21] : memref<2x128xi32, #tpu.memory_space<vmem>> -> memref<1x128xi32, #tpu.memory_space<vmem>>
    %dma_start3A_23 = tpu.memref_squeeze %dma_start3A_22 : memref<1x128xi32, #tpu.memory_space<vmem>> -> memref<128xi32, #tpu.memory_space<vmem>>
    %dma_start3A_24 = arith.constant 0 : i32
    %dma_start3A_25 = arith.constant 0 : i32
    %dma_start3A_26 = tpu.memref_slice %arg4[%dma_start3A_24, %dma_start3A_25] : memref<100000x128xf32, #tpu.memory_space<hbm>> -> memref<100000x128xf32, #tpu.memory_space<hbm>>
    tpu.enqueue_indirect_dma source(%dma_start3A_26 : memref<100000x128xf32, #tpu.memory_space<hbm>>) target(%arg10 : memref<128x128xf32, #tpu.memory_space<vmem>>) offsets(%dma_start3A_23 : memref<128xi32, #tpu.memory_space<vmem>>) semaphore(%arg13 : memref<!tpu.dma_semaphore, #tpu.memory_space<semaphore_mem>>)
    %dma_start3A_27 = arith.constant 1 : i32
    %dma_start3A_28 = arith.constant 0 : i32
    %dma_start3A_29 = tpu.memref_slice %arg8[%dma_start3A_27, %dma_start3A_28] : memref<2x128xi32, #tpu.memory_space<vmem>> -> memref<1x128xi32, #tpu.memory_space<vmem>>
    %dma_start3A_30 = tpu.memref_squeeze %dma_start3A_29 : memref<1x128xi32, #tpu.memory_space<vmem>> -> memref<128xi32, #tpu.memory_space<vmem>>
    %dma_start3A_31 = arith.constant 0 : i32
    %dma_start3A_32 = arith.constant 0 : i32
    %dma_start3A_33 = tpu.memref_slice %arg5[%dma_start3A_31, %dma_start3A_32] : memref<100000x128xf32, #tpu.memory_space<hbm>> -> memref<100000x128xf32, #tpu.memory_space<hbm>>
    tpu.enqueue_indirect_dma source(%dma_start3A_33 : memref<100000x128xf32, #tpu.memory_space<hbm>>) target(%arg12 : memref<128x128xf32, #tpu.memory_space<vmem>>) offsets(%dma_start3A_30 : memref<128xi32, #tpu.memory_space<vmem>>) semaphore(%arg13 : memref<!tpu.dma_semaphore, #tpu.memory_space<semaphore_mem>>)
    %dma_wait3A = arith.constant 0 : i32
    %dma_wait3A_34 = arith.constant 0 : i32
    %dma_wait3A_35 = tpu.memref_slice %arg7[%dma_wait3A, %dma_wait3A_34] : memref<2x128xi32, #tpu.memory_space<vmem>> -> memref<1x128xi32, #tpu.memory_space<vmem>>
    %dma_wait3A_36 = tpu.memref_squeeze %dma_wait3A_35 : memref<1x128xi32, #tpu.memory_space<vmem>> -> memref<128xi32, #tpu.memory_space<vmem>>
    %dma_wait3A_37 = arith.constant 0 : i32
    %dma_wait3A_38 = arith.constant 0 : i32
    %dma_wait3A_39 = tpu.memref_slice %arg4[%dma_wait3A_37, %dma_wait3A_38] : memref<100000x128xf32, #tpu.memory_space<hbm>> -> memref<100000x128xf32, #tpu.memory_space<hbm>>
    tpu.wait_indirect_dma semaphore(%arg13 : memref<!tpu.dma_semaphore, #tpu.memory_space<semaphore_mem>>) src(%dma_wait3A_39 : memref<100000x128xf32, #tpu.memory_space<hbm>>) dst(%arg9 : memref<128x128xf32, #tpu.memory_space<vmem>>)
    %dma_wait3A_40 = arith.constant 0 : i32
    %dma_wait3A_41 = arith.constant 0 : i32
    %dma_wait3A_42 = tpu.memref_slice %arg8[%dma_wait3A_40, %dma_wait3A_41] : memref<2x128xi32, #tpu.memory_space<vmem>> -> memref<1x128xi32, #tpu.memory_space<vmem>>
    %dma_wait3A_43 = tpu.memref_squeeze %dma_wait3A_42 : memref<1x128xi32, #tpu.memory_space<vmem>> -> memref<128xi32, #tpu.memory_space<vmem>>
    %dma_wait3A_44 = arith.constant 0 : i32
    %dma_wait3A_45 = arith.constant 0 : i32
    %dma_wait3A_46 = tpu.memref_slice %arg5[%dma_wait3A_44, %dma_wait3A_45] : memref<100000x128xf32, #tpu.memory_space<hbm>> -> memref<100000x128xf32, #tpu.memory_space<hbm>>
    tpu.wait_indirect_dma semaphore(%arg13 : memref<!tpu.dma_semaphore, #tpu.memory_space<semaphore_mem>>) src(%dma_wait3A_46 : memref<100000x128xf32, #tpu.memory_space<hbm>>) dst(%arg11 : memref<128x128xf32, #tpu.memory_space<vmem>>)
    %add3A_47 = arith.constant 0 : i32
    %add3A_48 = arith.addi %mul3A_2, %add3A_47 : i32
    %mul3A_49 = arith.constant 128 : i32
    %mul3A_50 = arith.muli %add3A_48, %mul3A_49 : i32
    %dma_start3A_51 = arith.constant 0 : i32
    %dma_start3A_52 = tpu.memref_slice %arg6[%mul3A_50, %dma_start3A_51] : memref<8192x256xf32, #tpu.memory_space<hbm>> -> memref<128x128xf32, #tpu.memory_space<hbm>>
    %dma_start3A_53 = arith.constant 0 : i32
    %dma_start3A_54 = tpu.memref_slice %arg6[%mul3A_50, %dma_start3A_53] : memref<8192x256xf32, #tpu.memory_space<hbm>> -> memref<128x128xf32, #tpu.memory_space<hbm>>
    tpu.enqueue_dma source(%arg9 : memref<128x128xf32, #tpu.memory_space<vmem>>) target(%dma_start3A_54 : memref<128x128xf32, #tpu.memory_space<hbm>>) target_semaphore(%arg14 : memref<!tpu.dma_semaphore, #tpu.memory_space<semaphore_mem>>)
    %dma_start3A_55 = arith.constant 128 : i32
    %dma_start3A_56 = tpu.memref_slice %arg6[%mul3A_50, %dma_start3A_55] : memref<8192x256xf32, #tpu.memory_space<hbm>> -> memref<128x128xf32, #tpu.memory_space<hbm>>
    %dma_start3A_57 = arith.constant 128 : i32
    %dma_start3A_58 = tpu.memref_slice %arg6[%mul3A_50, %dma_start3A_57] : memref<8192x256xf32, #tpu.memory_space<hbm>> -> memref<128x128xf32, #tpu.memory_space<hbm>>
    tpu.enqueue_dma source(%arg11 : memref<128x128xf32, #tpu.memory_space<vmem>>) target(%dma_start3A_58 : memref<128x128xf32, #tpu.memory_space<hbm>>) target_semaphore(%arg14 : memref<!tpu.dma_semaphore, #tpu.memory_space<semaphore_mem>>)
    %dma_wait3A_59 = arith.constant 1 : i32
    %dma_wait3A_60 = arith.constant 0 : i32
    %dma_wait3A_61 = tpu.memref_slice %arg7[%dma_wait3A_59, %dma_wait3A_60] : memref<2x128xi32, #tpu.memory_space<vmem>> -> memref<1x128xi32, #tpu.memory_space<vmem>>
    %dma_wait3A_62 = tpu.memref_squeeze %dma_wait3A_61 : memref<1x128xi32, #tpu.memory_space<vmem>> -> memref<128xi32, #tpu.memory_space<vmem>>
    %dma_wait3A_63 = arith.constant 0 : i32
    %dma_wait3A_64 = arith.constant 0 : i32
    %dma_wait3A_65 = tpu.memref_slice %arg4[%dma_wait3A_63, %dma_wait3A_64] : memref<100000x128xf32, #tpu.memory_space<hbm>> -> memref<100000x128xf32, #tpu.memory_space<hbm>>
    tpu.wait_indirect_dma semaphore(%arg13 : memref<!tpu.dma_semaphore, #tpu.memory_space<semaphore_mem>>) src(%dma_wait3A_65 : memref<100000x128xf32, #tpu.memory_space<hbm>>) dst(%arg10 : memref<128x128xf32, #tpu.memory_space<vmem>>)
    %dma_wait3A_66 = arith.constant 1 : i32
    %dma_wait3A_67 = arith.constant 0 : i32
    %dma_wait3A_68 = tpu.memref_slice %arg8[%dma_wait3A_66, %dma_wait3A_67] : memref<2x128xi32, #tpu.memory_space<vmem>> -> memref<1x128xi32, #tpu.memory_space<vmem>>
    %dma_wait3A_69 = tpu.memref_squeeze %dma_wait3A_68 : memref<1x128xi32, #tpu.memory_space<vmem>> -> memref<128xi32, #tpu.memory_space<vmem>>
    %dma_wait3A_70 = arith.constant 0 : i32
    %dma_wait3A_71 = arith.constant 0 : i32
    %dma_wait3A_72 = tpu.memref_slice %arg5[%dma_wait3A_70, %dma_wait3A_71] : memref<100000x128xf32, #tpu.memory_space<hbm>> -> memref<100000x128xf32, #tpu.memory_space<hbm>>
    tpu.wait_indirect_dma semaphore(%arg13 : memref<!tpu.dma_semaphore, #tpu.memory_space<semaphore_mem>>) src(%dma_wait3A_72 : memref<100000x128xf32, #tpu.memory_space<hbm>>) dst(%arg12 : memref<128x128xf32, #tpu.memory_space<vmem>>)
    %add3A_73 = arith.constant 1 : i32
    %add3A_74 = arith.addi %mul3A_2, %add3A_73 : i32
    %mul3A_75 = arith.constant 128 : i32
    %mul3A_76 = arith.muli %add3A_74, %mul3A_75 : i32
    %dma_start3A_77 = arith.constant 0 : i32
    %dma_start3A_78 = tpu.memref_slice %arg6[%mul3A_76, %dma_start3A_77] : memref<8192x256xf32, #tpu.memory_space<hbm>> -> memref<128x128xf32, #tpu.memory_space<hbm>>
    %dma_start3A_79 = arith.constant 0 : i32
    %dma_start3A_80 = tpu.memref_slice %arg6[%mul3A_76, %dma_start3A_79] : memref<8192x256xf32, #tpu.memory_space<hbm>> -> memref<128x128xf32, #tpu.memory_space<hbm>>
    tpu.enqueue_dma source(%arg10 : memref<128x128xf32, #tpu.memory_space<vmem>>) target(%dma_start3A_80 : memref<128x128xf32, #tpu.memory_space<hbm>>) target_semaphore(%arg14 : memref<!tpu.dma_semaphore, #tpu.memory_space<semaphore_mem>>)
    %dma_start3A_81 = arith.constant 128 : i32
    %dma_start3A_82 = tpu.memref_slice %arg6[%mul3A_76, %dma_start3A_81] : memref<8192x256xf32, #tpu.memory_space<hbm>> -> memref<128x128xf32, #tpu.memory_space<hbm>>
    %dma_start3A_83 = arith.constant 128 : i32
    %dma_start3A_84 = tpu.memref_slice %arg6[%mul3A_76, %dma_start3A_83] : memref<8192x256xf32, #tpu.memory_space<hbm>> -> memref<128x128xf32, #tpu.memory_space<hbm>>
    tpu.enqueue_dma source(%arg12 : memref<128x128xf32, #tpu.memory_space<vmem>>) target(%dma_start3A_84 : memref<128x128xf32, #tpu.memory_space<hbm>>) target_semaphore(%arg14 : memref<!tpu.dma_semaphore, #tpu.memory_space<semaphore_mem>>)
    %dma_wait3A_85 = arith.constant 0 : i32
    %dma_wait3A_86 = tpu.memref_slice %arg6[%mul3A_50, %dma_wait3A_85] : memref<8192x256xf32, #tpu.memory_space<hbm>> -> memref<128x128xf32, #tpu.memory_space<hbm>>
    %dma_wait3A_87 = arith.constant 0 : i32
    %dma_wait3A_88 = tpu.memref_slice %arg6[%mul3A_50, %dma_wait3A_87] : memref<8192x256xf32, #tpu.memory_space<hbm>> -> memref<128x128xf32, #tpu.memory_space<hbm>>
    tpu.wait_dma2 semaphore(%arg14 : memref<!tpu.dma_semaphore, #tpu.memory_space<semaphore_mem>>) src(%arg9 : memref<128x128xf32, #tpu.memory_space<vmem>>) dst(%dma_wait3A_88 : memref<128x128xf32, #tpu.memory_space<hbm>>)
    %dma_wait3A_89 = arith.constant 128 : i32
    %dma_wait3A_90 = tpu.memref_slice %arg6[%mul3A_50, %dma_wait3A_89] : memref<8192x256xf32, #tpu.memory_space<hbm>> -> memref<128x128xf32, #tpu.memory_space<hbm>>
    %dma_wait3A_91 = arith.constant 128 : i32
    %dma_wait3A_92 = tpu.memref_slice %arg6[%mul3A_50, %dma_wait3A_91] : memref<8192x256xf32, #tpu.memory_space<hbm>> -> memref<128x128xf32, #tpu.memory_space<hbm>>
    tpu.wait_dma2 semaphore(%arg14 : memref<!tpu.dma_semaphore, #tpu.memory_space<semaphore_mem>>) src(%arg11 : memref<128x128xf32, #tpu.memory_space<vmem>>) dst(%dma_wait3A_92 : memref<128x128xf32, #tpu.memory_space<hbm>>)
    %dma_wait3A_93 = arith.constant 0 : i32
    %dma_wait3A_94 = tpu.memref_slice %arg6[%mul3A_76, %dma_wait3A_93] : memref<8192x256xf32, #tpu.memory_space<hbm>> -> memref<128x128xf32, #tpu.memory_space<hbm>>
    %dma_wait3A_95 = arith.constant 0 : i32
    %dma_wait3A_96 = tpu.memref_slice %arg6[%mul3A_76, %dma_wait3A_95] : memref<8192x256xf32, #tpu.memory_space<hbm>> -> memref<128x128xf32, #tpu.memory_space<hbm>>
    tpu.wait_dma2 semaphore(%arg14 : memref<!tpu.dma_semaphore, #tpu.memory_space<semaphore_mem>>) src(%arg10 : memref<128x128xf32, #tpu.memory_space<vmem>>) dst(%dma_wait3A_96 : memref<128x128xf32, #tpu.memory_space<hbm>>)
    %dma_wait3A_97 = arith.constant 128 : i32
    %dma_wait3A_98 = tpu.memref_slice %arg6[%mul3A_76, %dma_wait3A_97] : memref<8192x256xf32, #tpu.memory_space<hbm>> -> memref<128x128xf32, #tpu.memory_space<hbm>>
    %dma_wait3A_99 = arith.constant 128 : i32
    %dma_wait3A_100 = tpu.memref_slice %arg6[%mul3A_76, %dma_wait3A_99] : memref<8192x256xf32, #tpu.memory_space<hbm>> -> memref<128x128xf32, #tpu.memory_space<hbm>>
    tpu.wait_dma2 semaphore(%arg14 : memref<!tpu.dma_semaphore, #tpu.memory_space<semaphore_mem>>) src(%arg12 : memref<128x128xf32, #tpu.memory_space<vmem>>) dst(%dma_wait3A_100 : memref<128x128xf32, #tpu.memory_space<hbm>>)
    return
  }
}

module attributes {stable_mosaic.version = 14 : i64} {
  func.func @_mlp_body(%arg0: i32, %arg1: memref<1024x256xf32, #tpu.memory_space<vmem>>, %arg2: memref<256x512xbf16, #tpu.memory_space<vmem>>, %arg3: memref<512xf32, #tpu.memory_space<vmem>>, %arg4: memref<512x256xbf16, #tpu.memory_space<vmem>>, %arg5: memref<256xf32, #tpu.memory_space<vmem>>, %arg6: memref<256x128xbf16, #tpu.memory_space<vmem>>, %arg7: memref<128xf32, #tpu.memory_space<vmem>>, %arg8: memref<1x128xbf16, #tpu.memory_space<vmem>>, %arg9: memref<1x1xf32, #tpu.memory_space<vmem>>, %arg10: memref<16384xf32, #tpu.memory_space<any>>, %arg11: memref<1024xf32, #tpu.memory_space<vmem>>) attributes {dimension_semantics = [#tpu.dimension_semantics<parallel>], iteration_bounds = array<i64: 8>, scalar_prefetch = 0 : i64, scratch_operands = 0 : i64, tpu.core_type = #tpu.core_type<tc>, window_params = [{transform_indices = @transform_0, window_bounds = array<i64: 1024, 256>}, {pipeline_mode = #tpu.pipeline_mode<synchronous>, transform_indices = @transform_1, window_bounds = array<i64: 256, 512>}, {pipeline_mode = #tpu.pipeline_mode<synchronous>, transform_indices = @transform_2, window_bounds = array<i64: 512>}, {pipeline_mode = #tpu.pipeline_mode<synchronous>, transform_indices = @transform_3, window_bounds = array<i64: 512, 256>}, {pipeline_mode = #tpu.pipeline_mode<synchronous>, transform_indices = @transform_4, window_bounds = array<i64: 256>}, {pipeline_mode = #tpu.pipeline_mode<synchronous>, transform_indices = @transform_5, window_bounds = array<i64: 256, 128>}, {pipeline_mode = #tpu.pipeline_mode<synchronous>, transform_indices = @transform_6, window_bounds = array<i64: 128>}, {pipeline_mode = #tpu.pipeline_mode<synchronous>, transform_indices = @transform_7, window_bounds = array<i64: 1, 128>}, {pipeline_mode = #tpu.pipeline_mode<synchronous>, transform_indices = @transform_8, window_bounds = array<i64: 1, 1>}, {}, {transform_indices = @transform_10, window_bounds = array<i64: 1024>}]} {
    %get3A = arith.constant 0 : index
    %get3A_0 = arith.constant 0 : index
    %get3A_1 = vector.load %arg1[%get3A, %get3A_0] : memref<1024x256xf32, #tpu.memory_space<vmem>>, vector<1024x256xf32>
    %convert_element_type3A = arith.truncf %get3A_1 : vector<1024x256xf32> to vector<1024x256xbf16>
    %get3A_2 = arith.constant 0 : index
    %get3A_3 = arith.constant 0 : index
    %get3A_4 = vector.load %arg2[%get3A_2, %get3A_3] : memref<256x512xbf16, #tpu.memory_space<vmem>>, vector<256x512xbf16>
    %dot_general3A = arith.constant dense<0.000000e+00> : vector<1024x512xf32>
    %dot_general3A_5 = tpu.matmul %convert_element_type3A, %get3A_4, %dot_general3A {dimension_numbers = #tpu.dot_dimension_numbers<[1], [0], [0], [1], [0, 0, 1, 1], [], []>, transpose_lhs_hint = false} : vector<1024x256xbf16>, vector<256x512xbf16>, vector<1024x512xf32> -> vector<1024x512xf32>
    %get3A_6 = arith.constant 0 : index
    %get3A_7 = vector.load %arg3[%get3A_6] : memref<512xf32, #tpu.memory_space<vmem>>, vector<512xf32>
    %broadcast_in_dim3A = vector.shape_cast %get3A_7 : vector<512xf32> to vector<1x512xf32>
    %add3A = vector.broadcast %broadcast_in_dim3A : vector<1x512xf32> to vector<1024x512xf32>
    %add3A_8 = arith.addf %dot_general3A_5, %add3A : vector<1024x512xf32>
    %max3A = arith.constant 0.000000e+00 : f32
    %max3A_9 = vector.broadcast %max3A : f32 to vector<1024x512xf32>
    %max3A_10 = arith.maximumf %add3A_8, %max3A_9 : vector<1024x512xf32>
    %convert_element_type3A_11 = arith.truncf %max3A_10 : vector<1024x512xf32> to vector<1024x512xbf16>
    %get3A_12 = arith.constant 0 : index
    %get3A_13 = arith.constant 0 : index
    %get3A_14 = vector.load %arg4[%get3A_12, %get3A_13] : memref<512x256xbf16, #tpu.memory_space<vmem>>, vector<512x256xbf16>
    %dot_general3A_15 = arith.constant dense<0.000000e+00> : vector<1024x256xf32>
    %dot_general3A_16 = tpu.matmul %convert_element_type3A_11, %get3A_14, %dot_general3A_15 {dimension_numbers = #tpu.dot_dimension_numbers<[1], [0], [0], [1], [0, 0, 1, 1], [], []>, transpose_lhs_hint = false} : vector<1024x512xbf16>, vector<512x256xbf16>, vector<1024x256xf32> -> vector<1024x256xf32>
    %get3A_17 = arith.constant 0 : index
    %get3A_18 = vector.load %arg5[%get3A_17] : memref<256xf32, #tpu.memory_space<vmem>>, vector<256xf32>
    %broadcast_in_dim3A_19 = vector.shape_cast %get3A_18 : vector<256xf32> to vector<1x256xf32>
    %add3A_20 = vector.broadcast %broadcast_in_dim3A_19 : vector<1x256xf32> to vector<1024x256xf32>
    %add3A_21 = arith.addf %dot_general3A_16, %add3A_20 : vector<1024x256xf32>
    %max3A_22 = arith.constant 0.000000e+00 : f32
    %max3A_23 = vector.broadcast %max3A_22 : f32 to vector<1024x256xf32>
    %max3A_24 = arith.maximumf %add3A_21, %max3A_23 : vector<1024x256xf32>
    %convert_element_type3A_25 = arith.truncf %max3A_24 : vector<1024x256xf32> to vector<1024x256xbf16>
    %get3A_26 = arith.constant 0 : index
    %get3A_27 = arith.constant 0 : index
    %get3A_28 = vector.load %arg6[%get3A_26, %get3A_27] : memref<256x128xbf16, #tpu.memory_space<vmem>>, vector<256x128xbf16>
    %dot_general3A_29 = arith.constant dense<0.000000e+00> : vector<1024x128xf32>
    %dot_general3A_30 = tpu.matmul %convert_element_type3A_25, %get3A_28, %dot_general3A_29 {dimension_numbers = #tpu.dot_dimension_numbers<[1], [0], [0], [1], [0, 0, 1, 1], [], []>, transpose_lhs_hint = false} : vector<1024x256xbf16>, vector<256x128xbf16>, vector<1024x128xf32> -> vector<1024x128xf32>
    %get3A_31 = arith.constant 0 : index
    %get3A_32 = vector.load %arg7[%get3A_31] : memref<128xf32, #tpu.memory_space<vmem>>, vector<128xf32>
    %broadcast_in_dim3A_33 = vector.shape_cast %get3A_32 : vector<128xf32> to vector<1x128xf32>
    %add3A_34 = vector.broadcast %broadcast_in_dim3A_33 : vector<1x128xf32> to vector<1024x128xf32>
    %add3A_35 = arith.addf %dot_general3A_30, %add3A_34 : vector<1024x128xf32>
    %max3A_36 = arith.constant 0.000000e+00 : f32
    %max3A_37 = vector.broadcast %max3A_36 : f32 to vector<1024x128xf32>
    %max3A_38 = arith.maximumf %add3A_35, %max3A_37 : vector<1024x128xf32>
    %get3A_39 = arith.constant 0 : index
    %get3A_40 = arith.constant 0 : index
    %get3A_41 = vector.load %arg8[%get3A_39, %get3A_40] : memref<1x128xbf16, #tpu.memory_space<vmem>>, vector<1x128xbf16>
    %convert_element_type3A_42 = arith.truncf %max3A_38 : vector<1024x128xf32> to vector<1024x128xbf16>
    %dot_general3A_43 = arith.constant dense<0.000000e+00> : vector<1x1024xf32>
    %dot_general3A_44 = tpu.matmul %get3A_41, %convert_element_type3A_42, %dot_general3A_43 {dimension_numbers = #tpu.dot_dimension_numbers<[1], [1], [0], [0], [0, 0, 1, 0], [], []>, transpose_lhs_hint = false} : vector<1x128xbf16>, vector<1024x128xbf16>, vector<1x1024xf32> -> vector<1x1024xf32>
    %squeeze3A = vector.shape_cast %dot_general3A_44 : vector<1x1024xf32> to vector<1024xf32>
    %get3A_45 = arith.constant 0 : index
    %get3A_46 = arith.constant 0 : index
    %get3A_47 = vector.load %arg9[%get3A_45, %get3A_46] : memref<1x1xf32, #tpu.memory_space<vmem>>, vector<1x1xf32>
    %get3A_48 = vector.extract %get3A_47[0, 0] : f32 from vector<1x1xf32>
    %add3A_49 = vector.broadcast %get3A_48 : f32 to vector<1024xf32>
    %add3A_50 = arith.addf %squeeze3A, %add3A_49 : vector<1024xf32>
    %swap3A = arith.constant 0 : index
    %swap3A_51 = vector.load %arg11[%swap3A] : memref<1024xf32, #tpu.memory_space<vmem>>, vector<1024xf32>
    tpu.vector_store %arg11[%swap3A], %add3A_50 {strides = array<i32>} : memref<1024xf32, #tpu.memory_space<vmem>>, vector<1024xf32>,
    return
  }
  func.func @transform_0(%arg0: i32) -> (i32, i32) {
    %c0_i32 = arith.constant 0 : i32
    %c0_i32_0 = arith.constant 0 : i32
    return %arg0, %c0_i32 : i32, i32
  }
  func.func @transform_1(%arg0: i32) -> (i32, i32) {
    %c0_i32 = arith.constant 0 : i32
    %c0_i32_0 = arith.constant 0 : i32
    %c0_i32_1 = arith.constant 0 : i32
    return %c0_i32, %c0_i32_0 : i32, i32
  }
  func.func @transform_2(%arg0: i32) -> i32 {
    %c0_i32 = arith.constant 0 : i32
    %c0_i32_0 = arith.constant 0 : i32
    return %c0_i32 : i32
  }
  func.func @transform_3(%arg0: i32) -> (i32, i32) {
    %c0_i32 = arith.constant 0 : i32
    %c0_i32_0 = arith.constant 0 : i32
    %c0_i32_1 = arith.constant 0 : i32
    return %c0_i32, %c0_i32_0 : i32, i32
  }
  func.func @transform_4(%arg0: i32) -> i32 {
    %c0_i32 = arith.constant 0 : i32
    %c0_i32_0 = arith.constant 0 : i32
    return %c0_i32 : i32
  }
  func.func @transform_5(%arg0: i32) -> (i32, i32) {
    %c0_i32 = arith.constant 0 : i32
    %c0_i32_0 = arith.constant 0 : i32
    %c0_i32_1 = arith.constant 0 : i32
    return %c0_i32, %c0_i32_0 : i32, i32
  }
  func.func @transform_6(%arg0: i32) -> i32 {
    %c0_i32 = arith.constant 0 : i32
    %c0_i32_0 = arith.constant 0 : i32
    return %c0_i32 : i32
  }
  func.func @transform_7(%arg0: i32) -> (i32, i32) {
    %c0_i32 = arith.constant 0 : i32
    %c0_i32_0 = arith.constant 0 : i32
    %c0_i32_1 = arith.constant 0 : i32
    return %c0_i32, %c0_i32_0 : i32, i32
  }
  func.func @transform_8(%arg0: i32) -> (i32, i32) {
    %c0_i32 = arith.constant 0 : i32
    %c0_i32_0 = arith.constant 0 : i32
    %c0_i32_1 = arith.constant 0 : i32
    return %c0_i32, %c0_i32_0 : i32, i32
  }
  func.func @transform_10(%arg0: i32) -> i32 {
    %add3A = arith.constant 0 : i32
    %add3A_0 = arith.addi %arg0, %add3A : i32
    %c0_i32 = arith.constant 0 : i32
    return %add3A_0 : i32
  }
}

module attributes {stable_mosaic.version = 14 : i64} {
  func.func @_mlp_body(%arg0: i32, %arg1: memref<1024x256xf32, #tpu.memory_space<vmem>>, %arg2: memref<256x512xbf16, #tpu.memory_space<vmem>>, %arg3: memref<512xf32, #tpu.memory_space<vmem>>, %arg4: memref<512x256xbf16, #tpu.memory_space<vmem>>, %arg5: memref<256xf32, #tpu.memory_space<vmem>>, %arg6: memref<256x128xbf16, #tpu.memory_space<vmem>>, %arg7: memref<128xf32, #tpu.memory_space<vmem>>, %arg8: memref<1x128xbf16, #tpu.memory_space<vmem>>, %arg9: memref<1x1xf32, #tpu.memory_space<vmem>>, %arg10: memref<16384xf32, #tpu.memory_space<any>>, %arg11: memref<1024xf32, #tpu.memory_space<vmem>>) attributes {dimension_semantics = [#tpu.dimension_semantics<parallel>], iteration_bounds = array<i64: 8>, scalar_prefetch = 0 : i64, scratch_operands = 0 : i64, tpu.core_type = #tpu.core_type<tc>, window_params = [{transform_indices = @transform_0, window_bounds = array<i64: 1024, 256>}, {pipeline_mode = #tpu.pipeline_mode<synchronous>, transform_indices = @transform_1, window_bounds = array<i64: 256, 512>}, {pipeline_mode = #tpu.pipeline_mode<synchronous>, transform_indices = @transform_2, window_bounds = array<i64: 512>}, {pipeline_mode = #tpu.pipeline_mode<synchronous>, transform_indices = @transform_3, window_bounds = array<i64: 512, 256>}, {pipeline_mode = #tpu.pipeline_mode<synchronous>, transform_indices = @transform_4, window_bounds = array<i64: 256>}, {pipeline_mode = #tpu.pipeline_mode<synchronous>, transform_indices = @transform_5, window_bounds = array<i64: 256, 128>}, {pipeline_mode = #tpu.pipeline_mode<synchronous>, transform_indices = @transform_6, window_bounds = array<i64: 128>}, {pipeline_mode = #tpu.pipeline_mode<synchronous>, transform_indices = @transform_7, window_bounds = array<i64: 1, 128>}, {pipeline_mode = #tpu.pipeline_mode<synchronous>, transform_indices = @transform_8, window_bounds = array<i64: 1, 1>}, {}, {transform_indices = @transform_10, window_bounds = array<i64: 1024>}]} {
    %get3A = arith.constant 0 : index
    %get3A_0 = arith.constant 0 : index
    %get3A_1 = vector.load %arg1[%get3A, %get3A_0] : memref<1024x256xf32, #tpu.memory_space<vmem>>, vector<1024x256xf32>
    %convert_element_type3A = arith.truncf %get3A_1 : vector<1024x256xf32> to vector<1024x256xbf16>
    %get3A_2 = arith.constant 0 : index
    %get3A_3 = arith.constant 0 : index
    %get3A_4 = vector.load %arg2[%get3A_2, %get3A_3] : memref<256x512xbf16, #tpu.memory_space<vmem>>, vector<256x512xbf16>
    %dot_general3A = arith.constant dense<0.000000e+00> : vector<1024x512xf32>
    %dot_general3A_5 = tpu.matmul %convert_element_type3A, %get3A_4, %dot_general3A {dimension_numbers = #tpu.dot_dimension_numbers<[1], [0], [0], [1], [0, 0, 1, 1], [], []>, transpose_lhs_hint = false} : vector<1024x256xbf16>, vector<256x512xbf16>, vector<1024x512xf32> -> vector<1024x512xf32>
    %get3A_6 = arith.constant 0 : index
    %get3A_7 = vector.load %arg3[%get3A_6] : memref<512xf32, #tpu.memory_space<vmem>>, vector<512xf32>
    %broadcast_in_dim3A = vector.shape_cast %get3A_7 : vector<512xf32> to vector<1x512xf32>
    %add3A = vector.broadcast %broadcast_in_dim3A : vector<1x512xf32> to vector<1024x512xf32>
    %add3A_8 = arith.addf %dot_general3A_5, %add3A : vector<1024x512xf32>
    %max3A = arith.constant 0.000000e+00 : f32
    %max3A_9 = vector.broadcast %max3A : f32 to vector<1024x512xf32>
    %max3A_10 = arith.maximumf %add3A_8, %max3A_9 : vector<1024x512xf32>
    %convert_element_type3A_11 = arith.truncf %max3A_10 : vector<1024x512xf32> to vector<1024x512xbf16>
    %get3A_12 = arith.constant 0 : index
    %get3A_13 = arith.constant 0 : index
    %get3A_14 = vector.load %arg4[%get3A_12, %get3A_13] : memref<512x256xbf16, #tpu.memory_space<vmem>>, vector<512x256xbf16>
    %dot_general3A_15 = arith.constant dense<0.000000e+00> : vector<1024x256xf32>
    %dot_general3A_16 = tpu.matmul %convert_element_type3A_11, %get3A_14, %dot_general3A_15 {dimension_numbers = #tpu.dot_dimension_numbers<[1], [0], [0], [1], [0, 0, 1, 1], [], []>, transpose_lhs_hint = false} : vector<1024x512xbf16>, vector<512x256xbf16>, vector<1024x256xf32> -> vector<1024x256xf32>
    %get3A_17 = arith.constant 0 : index
    %get3A_18 = vector.load %arg5[%get3A_17] : memref<256xf32, #tpu.memory_space<vmem>>, vector<256xf32>
    %broadcast_in_dim3A_19 = vector.shape_cast %get3A_18 : vector<256xf32> to vector<1x256xf32>
    %add3A_20 = vector.broadcast %broadcast_in_dim3A_19 : vector<1x256xf32> to vector<1024x256xf32>
    %add3A_21 = arith.addf %dot_general3A_16, %add3A_20 : vector<1024x256xf32>
    %max3A_22 = arith.constant 0.000000e+00 : f32
    %max3A_23 = vector.broadcast %max3A_22 : f32 to vector<1024x256xf32>
    %max3A_24 = arith.maximumf %add3A_21, %max3A_23 : vector<1024x256xf32>
    %convert_element_type3A_25 = arith.truncf %max3A_24 : vector<1024x256xf32> to vector<1024x256xbf16>
    %get3A_26 = arith.constant 0 : index
    %get3A_27 = arith.constant 0 : index
    %get3A_28 = vector.load %arg6[%get3A_26, %get3A_27] : memref<256x128xbf16, #tpu.memory_space<vmem>>, vector<256x128xbf16>
    %dot_general3A_29 = arith.constant dense<0.000000e+00> : vector<1024x128xf32>
    %dot_general3A_30 = tpu.matmul %convert_element_type3A_25, %get3A_28, %dot_general3A_29 {dimension_numbers = #tpu.dot_dimension_numbers<[1], [0], [0], [1], [0, 0, 1, 1], [], []>, transpose_lhs_hint = false} : vector<1024x256xbf16>, vector<256x128xbf16>, vector<1024x128xf32> -> vector<1024x128xf32>
    %get3A_31 = arith.constant 0 : index
    %get3A_32 = vector.load %arg7[%get3A_31] : memref<128xf32, #tpu.memory_space<vmem>>, vector<128xf32>
    %broadcast_in_dim3A_33 = vector.shape_cast %get3A_32 : vector<128xf32> to vector<1x128xf32>
    %add3A_34 = vector.broadcast %broadcast_in_dim3A_33 : vector<1x128xf32> to vector<1024x128xf32>
    %add3A_35 = arith.addf %dot_general3A_30, %add3A_34 : vector<1024x128xf32>
    %max3A_36 = arith.constant 0.000000e+00 : f32
    %max3A_37 = vector.broadcast %max3A_36 : f32 to vector<1024x128xf32>
    %max3A_38 = arith.maximumf %add3A_35, %max3A_37 : vector<1024x128xf32>
    %get3A_39 = arith.constant 0 : index
    %get3A_40 = arith.constant 0 : index
    %get3A_41 = vector.load %arg8[%get3A_39, %get3A_40] : memref<1x128xbf16, #tpu.memory_space<vmem>>, vector<1x128xbf16>
    %convert_element_type3A_42 = arith.truncf %max3A_38 : vector<1024x128xf32> to vector<1024x128xbf16>
    %dot_general3A_43 = arith.constant dense<0.000000e+00> : vector<1x1024xf32>
    %dot_general3A_44 = tpu.matmul %get3A_41, %convert_element_type3A_42, %dot_general3A_43 {dimension_numbers = #tpu.dot_dimension_numbers<[1], [1], [0], [0], [0, 0, 1, 0], [], []>, transpose_lhs_hint = false} : vector<1x128xbf16>, vector<1024x128xbf16>, vector<1x1024xf32> -> vector<1x1024xf32>
    %squeeze3A = vector.shape_cast %dot_general3A_44 : vector<1x1024xf32> to vector<1024xf32>
    %get3A_45 = arith.constant 0 : index
    %get3A_46 = arith.constant 0 : index
    %get3A_47 = vector.load %arg9[%get3A_45, %get3A_46] : memref<1x1xf32, #tpu.memory_space<vmem>>, vector<1x1xf32>
    %get3A_48 = vector.extract %get3A_47[0, 0] : f32 from vector<1x1xf32>
    %add3A_49 = vector.broadcast %get3A_48 : f32 to vector<1024xf32>
    %add3A_50 = arith.addf %squeeze3A, %add3A_49 : vector<1024xf32>
    %swap3A = arith.constant 0 : index
    %swap3A_51 = vector.load %arg11[%swap3A] : memref<1024xf32, #tpu.memory_space<vmem>>, vector<1024xf32>
    tpu.vector_store %arg11[%swap3A], %add3A_50 {strides = array<i32>} : memref<1024xf32, #tpu.memory_space<vmem>>, vector<1024xf32>,
    return
  }
  func.func @transform_0(%arg0: i32) -> (i32, i32) {
    %c0_i32 = arith.constant 0 : i32
    %c0_i32_0 = arith.constant 0 : i32
    return %arg0, %c0_i32 : i32, i32
  }
  func.func @transform_1(%arg0: i32) -> (i32, i32) {
    %c0_i32 = arith.constant 0 : i32
    %c0_i32_0 = arith.constant 0 : i32
    %c0_i32_1 = arith.constant 0 : i32
    return %c0_i32, %c0_i32_0 : i32, i32
  }
  func.func @transform_2(%arg0: i32) -> i32 {
    %c0_i32 = arith.constant 0 : i32
    %c0_i32_0 = arith.constant 0 : i32
    return %c0_i32 : i32
  }
  func.func @transform_3(%arg0: i32) -> (i32, i32) {
    %c0_i32 = arith.constant 0 : i32
    %c0_i32_0 = arith.constant 0 : i32
    %c0_i32_1 = arith.constant 0 : i32
    return %c0_i32, %c0_i32_0 : i32, i32
  }
  func.func @transform_4(%arg0: i32) -> i32 {
    %c0_i32 = arith.constant 0 : i32
    %c0_i32_0 = arith.constant 0 : i32
    return %c0_i32 : i32
  }
  func.func @transform_5(%arg0: i32) -> (i32, i32) {
    %c0_i32 = arith.constant 0 : i32
    %c0_i32_0 = arith.constant 0 : i32
    %c0_i32_1 = arith.constant 0 : i32
    return %c0_i32, %c0_i32_0 : i32, i32
  }
  func.func @transform_6(%arg0: i32) -> i32 {
    %c0_i32 = arith.constant 0 : i32
    %c0_i32_0 = arith.constant 0 : i32
    return %c0_i32 : i32
  }
  func.func @transform_7(%arg0: i32) -> (i32, i32) {
    %c0_i32 = arith.constant 0 : i32
    %c0_i32_0 = arith.constant 0 : i32
    %c0_i32_1 = arith.constant 0 : i32
    return %c0_i32, %c0_i32_0 : i32, i32
  }
  func.func @transform_8(%arg0: i32) -> (i32, i32) {
    %c0_i32 = arith.constant 0 : i32
    %c0_i32_0 = arith.constant 0 : i32
    %c0_i32_1 = arith.constant 0 : i32
    return %c0_i32, %c0_i32_0 : i32, i32
  }
  func.func @transform_10(%arg0: i32) -> i32 {
    %add3A = arith.constant 8 : i32
    %add3A_0 = arith.addi %arg0, %add3A : i32
    %c0_i32 = arith.constant 0 : i32
    return %add3A_0 : i32
  }
}

</mosaic_0001>

<sc_bundles>
// kernel: kernel.6.cloned.1.call-start
scs
__scs_entry_jumppad:
0x0: {  	(pc) =	sbr.rel $0x88, $3  }
0x1: {  	(tag) =	ssettag $0x0;
	lr =	simm.s32 $0x1  }
0x2: {  	[smem:$0x3F95] =	sst lr;
	_ =	strace $0xD0000000  }
0x3: {  	_ = 	snop  }
0x4: {  	_ = 	snop  }
0x5: {  	_ = 	snop  }
0x6: {  	_ = 	snop  }
0x7: {  	_ = 	snop  }
__scs_overlays_trampoline_lowered:
0x8: {  	[smem:$0x3FA4] =	sst s0  }
0x9: {  	[smem:$0x3FA5] =	sst s1  }
0xa: {  	[smem:$0x3FA6] =	sst s2  }
0xb: {  	[smem:$0x3FA7] =	sst s3  }
0xc: {  	[smem:$0x3FA8] =	sst s4  }
0xd: {  	[smem:$0x3FA9] =	sst s5  }
0xe: {  	[smem:$0x3FAA] =	sst s6  }
0xf: {  	[smem:$0x3FAB] =	sst s7  }
0x10: {  	[smem:$0x3FAC] =	sst s8  }
0x11: {  	[smem:$0x3FAD] =	sst s9;
	s0 =	simm.s32 @!p0 $0x0  }
0x12: {  	s1 =	sld [smem:$0x3F93];
	s0 =	simm.s32 @p0 $0x1  }
0x13: {  	[smem:$0x3FAE] =	sst s0;
	s0 =	simm.s32 @!p1 $0x0  }
0x14: {  	s2 =	sld [smem:$0x3F92];
	s0 =	simm.s32 @p1 $0x1  }
0x15: {  	[smem:$0x3FAF] =	sst s0;
	s0 =	simm.s32 @!p2 $0x0  }
0x16: {  	s3 =	sld [smem:$0x3FDB];
	s0 =	simm.s32 @p2 $0x1  }
0x17: {  	s4 =	simm.s32 $0x1BF5;
	[smem:$0x3FB1] =	sst s0  }
0x18: {  	s0 =	sld [smem:$0x3F94];
	_ =	swait.ge [sflag:s4], $0x0  }
0x19: {  	s7 =	sld [smem:$0x3F95]  }
0x1a: {  	s8 =	sadd.s32 $0xFFFFE003, lr  }
0x1b: {  	s9 =	sadd.s32 $0xFFFFFEF7, lr;
	s5 =	simm.s32 $0xFFFFFFFF;
	p2 =	slt.u32 s8, $0xFFFFF086  }
0x1c: {  	p1 =	slt.u32 s9, $0xF7A;
	s5 =	simm.s32 @!p2 $0x0  }
0x1d: {  	s5 =	simm.s32 @p1 $0x1;
	p0 =	seq.s32 s7, s2  }
0x1e: {  	s7 =	smul.u32 @!p0 $0xF7A, s2;
	p2 =	seq.s32 @!p0 s5, $0x0  }
0x1f: {  	s9 =	smul.u32 $0xF7A, s1;
	s8 =	simm.s32 @!p0 $0x1BF5;
	p2 =	por !p2, p0  }
0x20: {  	[sflag:s8] =	ssyncset.s32 @!p0 $0xFFFFF086;
	s6 =	sadd.s32 @!p0 s3, s7;
	s7 =	simm.s32 @!p0 $0x108  }
0x21: {  	s3 =	sadd.s32 s3, s9;
	s6 =	sadd.s32 @!p0 $0x88, s6;
	s7 =	simm.s32 @p2 $0x1082  }
0x22: {  	[simem:s7], [sflag:s8] =	dma.local @!p0 [hbm:s6], $0xF7A  }
0x23: {  	s9 =	sor.u32 $0xD0000000, s2;
	s6 =	simm.s32 $0x108;
	_ =	swait.ge @!p0 [sflag:s8], $0x0  }
0x24: {  	s3 =	sadd.s32 $0x88, s3;
	s6 =	simm.s32 @!p1 $0x1082;
	[sflag:s4] =	ssyncset.s32 $0xFFFFF086  }
0x25: {  	[simem:s6], [sflag:s4] =	dma.local [hbm:s3], $0xF7A  }
0x26: {  	[smem:$0x3F95] =	sst s1;
	(tag) =	ssettag s2;
	_ =	strace s9  }
0x27: {  	s1 =	sld [smem:$0x3FA5]  }
0x28: {  	s2 =	sld [smem:$0x3FA6]  }
0x29: {  	s4 =	sld [smem:$0x3FA8]  }
0x2a: {  	p0 =	seq.s32 s5, $0x0;
	s5 =	sld [smem:$0x3FA9]  }
0x2b: {  	s6 =	sld [smem:$0x3FAA]  }
0x2c: {  	s7 =	sld [smem:$0x3FAB]  }
0x2d: {  	s3 =	simm.s32 $0x108;
	s8 =	sld [smem:$0x3FAC]  }
0x2e: {  	s3 =	simm.s32 @!p0 $0x1082;
	s9 =	sld [smem:$0x3FAD]  }
0x2f: {  	lr =	sadd.s32 s0, s3;
	s0 =	sld [smem:$0x3FA4]  }
0x30: {  	s3 =	sld [smem:$0x3FA7]  }
0x31: {  	[smem:$0x3FB0] =	sst s10  }
0x32: {  	s10 =	sld [smem:$0x3FAE];
	_ =	sdelay $0x3  }
0x33: {  	p0 =	seq.s32 s10, $0x1;
	s10 =	sld [smem:$0x3FB0];
	_ =	sdelay $0x3  }
0x34: {  	[smem:$0x3FB0] =	sst s10  }
0x35: {  	s10 =	sld [smem:$0x3FAF];
	_ =	sdelay $0x3  }
0x36: {  	p1 =	seq.s32 s10, $0x1;
	s10 =	sld [smem:$0x3FB0];
	_ =	sdelay $0x3  }
0x37: {  	[smem:$0x3FB0] =	sst s10  }
0x38: {  	s10 =	sld [smem:$0x3FB1]  }
0x39: {  	_ = 	snop;
	(pc) =	sbr.ind lr, $3  }
0x3a: {  	_ = 	snop  }
0x3b: {  	_ = 	snop  }
0x3c: {  	p2 =	seq.s32 s10, $0x1;
	s10 =	sld [smem:$0x3FB0]  }
0x3d: {  	_ =	shalt  }
0x3e: {  	_ =	shalt  }
0x3f: {  	_ =	shalt  }
0x40: {  	_ =	shalt  }
0x41: {  	_ =	shalt  }
0x42: {  	_ =	shalt  }
0x43: {  	_ =	shalt  }
0x44: {  	_ =	shalt  }
0x45: {  	_ =	shalt  }
0x46: {  	_ =	shalt  }
0x47: {  	_ =	shalt  }
0x48: {  	_ =	shalt  }
0x49: {  	_ =	shalt  }
0x4a: {  	_ =	shalt  }
0x4b: {  	_ =	shalt  }
0x4c: {  	_ =	shalt  }
0x4d: {  	_ =	shalt  }
0x4e: {  	_ =	shalt  }
0x4f: {  	_ =	shalt  }
0x50: {  	_ =	shalt  }
0x51: {  	_ =	shalt  }
0x52: {  	_ =	shalt  }
0x53: {  	_ =	shalt  }
0x54: {  	_ =	shalt  }
0x55: {  	_ =	shalt  }
0x56: {  	_ =	shalt  }
0x57: {  	_ =	shalt  }
0x58: {  	_ =	shalt  }
0x59: {  	_ =	shalt  }
0x5a: {  	_ =	shalt  }
0x5b: {  	_ =	shalt  }
0x5c: {  	_ =	shalt  }
0x5d: {  	_ =	shalt  }
0x5e: {  	_ =	shalt  }
0x5f: {  	_ =	shalt  }
0x60: {  	_ =	shalt  }
0x61: {  	_ =	shalt  }
0x62: {  	_ =	shalt  }
0x63: {  	_ =	shalt  }
0x64: {  	_ =	shalt  }
0x65: {  	_ =	shalt  }
0x66: {  	_ =	shalt  }
0x67: {  	_ =	shalt  }
0x68: {  	_ =	shalt  }
0x69: {  	_ =	shalt  }
0x6a: {  	_ =	shalt  }
0x6b: {  	_ =	shalt  }
0x6c: {  	_ =	shalt  }
0x6d: {  	_ =	shalt  }
0x6e: {  	_ =	shalt  }
0x6f: {  	_ =	shalt  }
0x70: {  	_ =	shalt  }
0x71: {  	_ =	shalt  }
0x72: {  	_ =	shalt  }
0x73: {  	_ =	shalt  }
0x74: {  	_ =	shalt  }
0x75: {  	_ =	shalt  }
0x76: {  	_ =	shalt  }
0x77: {  	_ =	shalt  }
0x78: {  	_ =	shalt  }
0x79: {  	_ =	shalt  }
0x7a: {  	_ =	shalt  }
0x7b: {  	_ =	shalt  }
0x7c: {  	_ =	shalt  }
0x7d: {  	_ =	shalt  }
0x7e: {  	_ =	shalt  }
0x7f: {  	_ =	shalt  }
0x80: {  	_ =	shalt  }
0x81: {  	_ =	shalt  }
0x82: {  	_ =	shalt  }
0x83: {  	_ =	shalt  }
0x84: {  	_ =	shalt  }
0x85: {  	_ =	shalt  }
0x86: {  	_ =	shalt  }
0x87: {  	_ =	shalt  }
.Lfunc_end0:
.L_simem_size_0:
called_computation_lowered:
.L_overlay_start_0:
0x88: {  	s2 =	sld [smem:$0x3FD9]  }
0x89: {  	s3 =	sld [smem:$0x3FFE];
	_ =	sdelay $0x1  }
0x8a: {  	s1 =	srdreg.scid  }
0x8b: {  	s0 =	sand.u32 $0x1, s1  }
0x8c: {  	s17 =	sshll.u32 s0, $0xA;
	s2 =	sadd.s32 s3, s2  }
0x8d: {  	s2 =	sadd.s32 s2, s17  }
0x8e: {  	[smem:$0x3FBC] =	sst s2  }
0x8f: {  	_ = 	snop  }
0x90: {  	s2 =	sld [smem:$0x3FC9]  }
0x91: {  	s18 =	sld [smem:$0x3FC8]  }
0x92: {  	s4 =	sld [smem:$0x3FC7]  }
0x93: {  	s5 =	sld [smem:$0x3FC6];
	(tm) =	ssettm $0x1  }
0x94: {  	s6 =	sld [smem:$0x3FFB];
	_ =	sdelay $0x3  }
0x95: {  	_ =	strace s6  }
0x96: {  	s6 =	sld [smem:$0x3FFC];
	_ =	sdelay $0x3  }
0x97: {  	_ =	strace s6  }
0x98: {  	s6 =	sld [smem:$0x3FFD];
	_ =	sdelay $0x3  }
0x99: {  	_ =	strace s6  }
0x9a: {  	_ =	strace $0x8FFFFFFF  }
0x9b: {  	s19 =	sld [smem:$0x3FDB];
	_ =	sdelay $0x1  }
0x9c: {  	s7 =	simm.s32 $_scs_section_size  }
0x9d: {  	s8 =	simm.s32 $_size__tile_overlayer_lowered;
	s9 =	simm.s32 $_tile_overlayer_lowered  }
0x9e: {  	s22 =	simm.s32 $0x1BFF;
	s21 =	sshll.u32 s9, $0x1;
	s6 =	sadd.s32 s7, s19  }
0x9f: {  	s10 =	simm.s32 $0x0;
	s20 =	sshll.u32 s8, $0x1;
	s8 =	sadd.s32 s21, s6  }
0xa0: {  	[timem:s10], [sflag:s22] =	dma.local [hbm:s8], s20  }
0xa1: {  	_ =	swait.ge [sflag:s22], s20  }
0xa2: {  	s7 =	ssub.s32 $0x0, s20;
	[sflag:s22] =	ssyncset.done $0x0  }
0xa3: {  	[sflag:s22] =	ssyncadd.s32 s7;
	_ =	sdelay $0x1  }
0xa4: {  	s23 =	simm.s32 $0x1B8B  }
0xa5: {  	_ =	swait.ge [sflag:s23], $0x1  }
0xa6: {  	[sflag:s23] =	ssyncset.done $0x0  }
0xa7: {  	s25 =	simm.s32 $0x1B8E;
	s24 =	sld [smem:$0x3FFE];
	[sflag:s23] =	ssyncadd.s32 $0xFFFFFFFF  }
0xa8: {  	s26 =	simm.s32 $execute0_lowered;
	[smem:$0x3FD2] =	sst s25  }
0xa9: {  	s8 =	sshll.u32 s26, $0x1;
	_ =	strace $0x80000046;
	[dreg:$0x1] =	wrdreg $0xFFFFFFFF  }
0xaa: {  	s28 =	simm.s32 $_size_execute0_lowered;
	s6 =	sadd.s32 s6, s8;
	[dreg:$0x0] =	wrdreg $0x0  }
0xab: {  	s8 =	sshll.u32 s28, $0x1;
	[dreg:$0x2] =	wrdreg s6  }
0xac: {  	[dreg:$0x3] =	wrdreg s8  }
0xad: {  	[dreg:$0x4] =	wrdreg $0xC0  }
0xae: {  	_ =	task [dreg:s10], $0x5FFFF  }
0xaf: {  	[dreg:$0x1] =	wrdreg $0xFFFFFFFF  }
0xb0: {  	[dreg:$0x0] =	wrdreg $0x60  }
0xb1: {  	[dreg:$0x2] =	wrdreg s2  }
0xb2: {  	[dreg:$0x3] =	wrdreg s18  }
0xb3: {  	[dreg:$0x4] =	wrdreg s4  }
0xb4: {  	[dreg:$0x5] =	wrdreg s5  }
0xb5: {  	[dreg:$0x6] =	wrdreg s24  }
0xb6: {  	[dreg:$0x7] =	wrdreg $0x9  }
0xb7: {  	_ =	task.clear_ibuf [dreg:s10], $0x8FFFF;
	_ =	strace $0x90000046  }
0xb8: {  	s29 =	simm.s32 $0x9;
	_ =	strace $0x80000048  }
0xb9: {  	_ =	swait.ge [sflag:s29], $0x1  }
0xba: {  	[sflag:s29] =	ssyncadd.s32 $0xFFFFFFFF  }
0xbb: {  	_ =	strace $0x90000048  }
0xbc: {  	_ =	sfence  }
0xbd: {  	s30 =	sld [smem:$0x0];
	_ =	sdelay $0x2  }
0xbe: {  	s31 =	sshll.u32 s1, $0xD;
	s1 =	sshrl.u32 s1, $0x2  }
0xbf: {  	s3 =	sand.u32 $0x4000, s31;
	s1 =	sadd.s32 s1, s30  }
0xc0: {  	s0 =	sor.u32 s3, s0;
	s1 =	sshll.u32 s1, $0x11  }
0xc1: {  	s0 =	sor.u32 s1, s0  }
0xc2: {  	s0 =	sadd.s32 $0x8F2B, s0  }
0xc3: {  	[sflag:s0] =	ssyncadd.remote.s32 $0x1  }
0xc4: {  	_ =	sfence.sel $0xFFFF  }
0xc5: {  	[dreg:$0x0] =	wrdreg $0xFFFFFFFF;
	(pc) =	sbr.abs _section_cstart, $3  }
0xc6: {  	[dreg:$0x1] =	wrdreg $0xFFFFFFFF  }
0xc7: {  	_ =	task.clear_ibuf [dreg:s10], $0x2FFFF;
	_ =	strace $0x9FFFFFFF  }
0xc8: {  	(tm) =	ssettm $0x7FFFFFFF  }
0xc9: {  	_ =	shalt  }
tec
execute0_lowered:
.L_overlay_start_1:
0x0: {  	(tag) =	ssettag $0x1  }
0x1: {  	s5 =	rddreg [dreg:$0x0]  }
0x2: {  	s7 =	rddreg [dreg:$0x1]  }
0x3: {  	s2 =	rddreg [dreg:$0x2]  }
0x4: {  	s3 =	rddreg [dreg:$0x3]  }
0x5: {  	s1 =	srdreg.scid;
	s0 =	stileid.u32  }
0x6: {  	s16 =	rddreg [dreg:$0x4];
	s23 =	sand.u32 $0x1, s1;
	s6 =	sshll.u32 s0, $0x1  }
0x7: {  	s4 =	simm.s32 $0x0;
	s1 =	rddreg [dreg:$0x5];
	s17 =	sor.u32 s23, s6  }
0x8: {  	[smem:$0x7FF] =	sst s4;
	s8 =	sshll.u32 s17, $0x5  }
0x9: {  	_ =	strace $0x80000047;
	s6 =	simm.s32 $0x3;
	s5 =	sadd.s32 s5, s8  }
0xa: {  	[tilespmem:s4], [sflag:$0x3] =	stream.linear.gather [hbm4b:s5+s4], $0x100, $0x38;
	[tilespmem:$0x10200] =	vst v63  }
0xb: {  	_ =	swait.ge [sflag:s6], $0x100  }
0xc: {  	[sflag:s6] =	ssyncset.done $0x0  }
0xd: {  	s7 =	sadd.s32 s7, s8;
	s8 =	simm.s32 $0x100;
	[sflag:s6] =	ssyncadd.s32 $0xFFFFFF00  }
0xe: {  	[tilespmem:s8], [sflag:$0x3] =	stream.linear.gather [hbm4b:s7+s4], $0x100, $0x38;
	[tilespmem:$0x10200] =	vst v63  }
0xf: {  	_ =	swait.ge [sflag:s6], $0x100  }
0x10: {  	[sflag:s6] =	ssyncset.done $0x0  }
0x11: {  	s9 =	simm.s32 $0x80;
	s10 =	simm.s32 $0x200;
	[sflag:s6] =	ssyncadd.s32 $0xFFFFFF00  }
0x12: {  	[tilespmem:s10], [sflag:$0x1] =	stream.indirect.gather [hbm4b:s2+s9], $0x80, s4, s9, $0xb8;
	[tilespmem:$0x10200] =	vst v63  }
0x13: {  	s11 =	simm.s32 $0x8200  }
0x14: {  	[tilespmem:s11], [sflag:$0x1] =	stream.indirect.gather [hbm4b:s3+s9], $0x80, s8, s9, $0xb8;
	[tilespmem:$0x10200] =	vst v63  }
0x15: {  	s12 =	simm.s32 $0x4200  }
0x16: {  	[tilespmem:s12], [sflag:$0x1] =	stream.indirect.gather [hbm4b:s2+s9], $0x80, s9, s9, $0xb8;
	[tilespmem:$0x10200] =	vst v63  }
0x17: {  	s13 =	simm.s32 $0x180;
	s14 =	simm.s32 $0xC200;
	s15 =	simm.s32 $0x1  }
0x18: {  	[tilespmem:s14], [sflag:$0x1] =	stream.indirect.gather [hbm4b:s3+s9], $0x80, s13, s9, $0xb8;
	[tilespmem:$0x10200] =	vst v63  }
0x19: {  	_ =	swait.ge [sflag:s15], $0x4000  }
0x1a: {  	[sflag:s15] =	ssyncset.done $0x0  }
0x1b: {  	[sflag:s15] =	ssyncadd.s32 $0xFFFFC000  }
0x1c: {  	s17 =	sshll.u32 s17, $0xD;
	_ =	swait.ge [sflag:s15], $0x4000  }
0x1d: {  	s18 =	simm.s32 $0x800;
	s21 =	sadd.s32 s17, s16;
	[sflag:s15] =	ssyncset.done $0x0  }
0x1e: {  	s17 =	simm.s32 $0x400;
	s16 =	sadd.s32 $0x1A00, s21;
	[sflag:s15] =	ssyncadd.s32 $0xFFFFC000  }
0x1f: {  	[hbm4b:s16+s17] =	stream.strided.scatter [tilespmem:s10], [sflag:$0x2], $0x4000, s18, s17, $0x38;
	[tilespmem:$0x10200] =	vst v63  }
0x20: {  	s19 =	sadd.s32 $0x1A80, s21  }
0x21: {  	[hbm4b:s19+s17] =	stream.strided.scatter [tilespmem:s11], [sflag:$0x2], $0x4000, s18, s17, $0x38;
	[tilespmem:$0x10200] =	vst v63  }
0x22: {  	_ =	swait.ge [sflag:s15], $0x4000  }
0x23: {  	[sflag:s15] =	ssyncset.done $0x0  }
0x24: {  	[sflag:s15] =	ssyncadd.s32 $0xFFFFC000  }
0x25: {  	_ =	swait.ge [sflag:s15], $0x4000  }
0x26: {  	[sflag:s15] =	ssyncset.done $0x0  }
0x27: {  	s20 =	sadd.s32 $0x2A00, s21;
	[sflag:s15] =	ssyncadd.s32 $0xFFFFC000  }
0x28: {  	[hbm4b:s20+s17] =	stream.strided.scatter [tilespmem:s12], [sflag:$0x2], $0x4000, s18, s17, $0x38;
	[tilespmem:$0x10200] =	vst v63  }
0x29: {  	s22 =	sadd.s32 $0x2A80, s21;
	s21 =	simm.s32 $0x2  }
0x2a: {  	[hbm4b:s22+s17] =	stream.strided.scatter [tilespmem:s14], [sflag:$0x2], $0x4000, s18, s17, $0x38;
	[tilespmem:$0x10200] =	vst v63  }
0x2b: {  	_ =	swait.ge [sflag:s21], $0x4000  }
0x2c: {  	s23 =	ssub.s32 $0x2, s23;
	[sflag:s21] =	ssyncset.done $0x0  }
0x2d: {  	s24 =	sshrl.u32 s23, $0x1;
	[sflag:s21] =	ssyncadd.s32 $0xFFFFC000  }
0x2e: {  	s23 =	ssub.s32 s23, s24;
	_ =	swait.ge [sflag:s21], $0x4000  }
0x2f: {  	s23 =	smax.u32 s23, $0x1;
	[sflag:s21] =	ssyncset.done $0x0  }
0x30: {  	p0 =	sne.s32 s23, $0x1;
	[sflag:s21] =	ssyncadd.s32 $0xFFFFC000  }
.Ltmp0:
0x31: {  	_ =	swait.ge [sflag:s21], $0x4000;
	(pc) =	sbr.rel @!p0 .LBB2_2-.Ltmp0, $4  }
0x32: {  	[sflag:s21] =	ssyncset.done $0x0  }
0x33: {  	[sflag:s21] =	ssyncadd.s32 $0xFFFFC000  }
0x34: {  	_ =	swait.ge [sflag:s21], $0x4000  }
0x35: {  	s23 =	sadd.s32 $0xFFFFFFFF, s23;
	[sflag:s21] =	ssyncset.done $0x0  }
.LBB2_1:
0x36: {  	p0 =	sne.s32 s23, $0x1;
	s23 =	sadd.s32 $0xFFFFFFFF, s23;
	[sflag:s21] =	ssyncadd.s32 $0xFFFFC000  }
0x37: {  	[tilespmem:s4], [sflag:$0x3] =	stream.linear.gather [hbm4b:s5+s4], $0x100, $0x38;
	[tilespmem:$0x10200] =	vst v63  }
0x38: {  	_ =	swait.ge [sflag:s6], $0x100  }
0x39: {  	[sflag:s6] =	ssyncset.done $0x0  }
0x3a: {  	[sflag:s6] =	ssyncadd.s32 $0xFFFFFF00  }
0x3b: {  	[tilespmem:s8], [sflag:$0x3] =	stream.linear.gather [hbm4b:s7+s4], $0x100, $0x38;
	[tilespmem:$0x10200] =	vst v63  }
0x3c: {  	_ =	swait.ge [sflag:s6], $0x100  }
0x3d: {  	[sflag:s6] =	ssyncset.done $0x0  }
0x3e: {  	[sflag:s6] =	ssyncadd.s32 $0xFFFFFF00  }
0x3f: {  	[tilespmem:s10], [sflag:$0x1] =	stream.indirect.gather [hbm4b:s2+s9], $0x80, s4, s9, $0xb8;
	[tilespmem:$0x10200] =	vst v63  }
0x40: {  	_ = 	snop  }
0x41: {  	[tilespmem:s11], [sflag:$0x1] =	stream.indirect.gather [hbm4b:s3+s9], $0x80, s8, s9, $0xb8;
	[tilespmem:$0x10200] =	vst v63  }
0x42: {  	_ = 	snop  }
0x43: {  	[tilespmem:s12], [sflag:$0x1] =	stream.indirect.gather [hbm4b:s2+s9], $0x80, s9, s9, $0xb8;
	[tilespmem:$0x10200] =	vst v63  }
0x44: {  	_ = 	snop  }
0x45: {  	[tilespmem:s14], [sflag:$0x1] =	stream.indirect.gather [hbm4b:s3+s9], $0x80, s13, s9, $0xb8;
	[tilespmem:$0x10200] =	vst v63  }
0x46: {  	_ =	swait.ge [sflag:s15], $0x4000  }
0x47: {  	[sflag:s15] =	ssyncset.done $0x0  }
0x48: {  	[sflag:s15] =	ssyncadd.s32 $0xFFFFC000  }
0x49: {  	_ =	swait.ge [sflag:s15], $0x4000  }
0x4a: {  	[sflag:s15] =	ssyncset.done $0x0  }
0x4b: {  	[sflag:s15] =	ssyncadd.s32 $0xFFFFC000  }
0x4c: {  	[hbm4b:s16+s17] =	stream.strided.scatter [tilespmem:s10], [sflag:$0x2], $0x4000, s18, s17, $0x38;
	[tilespmem:$0x10200] =	vst v63  }
0x4d: {  	_ = 	snop  }
0x4e: {  	[hbm4b:s19+s17] =	stream.strided.scatter [tilespmem:s11], [sflag:$0x2], $0x4000, s18, s17, $0x38;
	[tilespmem:$0x10200] =	vst v63  }
0x4f: {  	_ =	swait.ge [sflag:s15], $0x4000  }
0x50: {  	[sflag:s15] =	ssyncset.done $0x0  }
0x51: {  	[sflag:s15] =	ssyncadd.s32 $0xFFFFC000  }
0x52: {  	_ =	swait.ge [sflag:s15], $0x4000  }
0x53: {  	[sflag:s15] =	ssyncset.done $0x0  }
0x54: {  	[sflag:s15] =	ssyncadd.s32 $0xFFFFC000  }
0x55: {  	[hbm4b:s20+s17] =	stream.strided.scatter [tilespmem:s12], [sflag:$0x2], $0x4000, s18, s17, $0x38;
	[tilespmem:$0x10200] =	vst v63  }
0x56: {  	_ = 	snop  }
0x57: {  	[hbm4b:s22+s17] =	stream.strided.scatter [tilespmem:s14], [sflag:$0x2], $0x4000, s18, s17, $0x38;
	[tilespmem:$0x10200] =	vst v63  }
0x58: {  	_ =	swait.ge [sflag:s21], $0x4000  }
0x59: {  	[sflag:s21] =	ssyncset.done $0x0  }
0x5a: {  	[sflag:s21] =	ssyncadd.s32 $0xFFFFC000  }
0x5b: {  	_ =	swait.ge [sflag:s21], $0x4000  }
0x5c: {  	[sflag:s21] =	ssyncset.done $0x0  }
0x5d: {  	[sflag:s21] =	ssyncadd.s32 $0xFFFFC000  }
.Ltmp1:
0x5e: {  	_ =	swait.ge [sflag:s21], $0x4000;
	(pc) =	sbr.rel @p0 .LBB2_1-.Ltmp1, $4  }
0x5f: {  	[sflag:s21] =	ssyncset.done $0x0  }
0x60: {  	[sflag:s21] =	ssyncadd.s32 $0xFFFFC000  }
0x61: {  	_ =	swait.ge [sflag:s21], $0x4000  }
0x62: {  	[sflag:s21] =	ssyncset.done $0x0  }
.LBB2_2:
0x63: {  	[sflag:s21] =	ssyncadd.s32 $0xFFFFC000  }
0x64: {  	_ =	sfence.sel $0x180000  }
0x65: {  	[bflag:$0x0] =	sbarrier.arrive $0xFFFF  }
0x66: {  	p0 =	sne.s32 s0, $0x0;
	_ =	strace $0x90000047  }
0x67: {  	s0 =	sadd.s32 @!p0 $0x100000, s1;
	[bflag:$0x2] =	sbarrier.arrive $0xFFFF  }
0x68: {  	[sflag:s0] =	ssyncadd.tile.s32 @!p0 $0x1;
	_ =	shalt  }
.Lfunc_end2:
_tile_overlayer_lowered:
.L_overlay_start_2:
0x69: {  	(tag) =	ssettag $0x2  }
0x6a: {  	s0 =	rddreg [dreg:$0x0];
	s2 =	stileid.u32  }
0x6b: {  	s1 =	rddreg [dreg:$0x1];
	p0 =	sne.s32 s2, $0x0  }
0x6c: {  	s3 =	rddreg [dreg:$0x2];
	[bflag:$0x3] =	sbarrier.arrive $0xFFFF;
	s2 =	simm.s32 @!p0 $0x1C03  }
0x6d: {  	[timem:s3], [sflag:s2] =	dma.local @!p0 [hbm:s0], s1  }
0x6e: {  	s0 =	simm.s32 @!p0 $0x3  }
0x6f: {  	_ =	swait.ge @!p0 [sflag:s0], s1  }
0x70: {  	s1 =	ssub.s32 @!p0 $0x0, s1;
	[sflag:s0] =	ssyncset.done @!p0 $0x0  }
0x71: {  	[sflag:s0] =	ssyncadd.s32 @!p0 s1  }
0x72: {  	[bflag:$0x3] =	sbarrier.arrive $0xFFFF  }
0x73: {  	_ =	shalt  }

// kernel: kernel.9.cloned.1.call-start
scs
__scs_entry_jumppad:
0x0: {  	(pc) =	sbr.rel $0x88, $3  }
0x1: {  	(tag) =	ssettag $0x0;
	lr =	simm.s32 $0x1  }
0x2: {  	[smem:$0x3F95] =	sst lr;
	_ =	strace $0xD0000000  }
0x3: {  	_ = 	snop  }
0x4: {  	_ = 	snop  }
0x5: {  	_ = 	snop  }
0x6: {  	_ = 	snop  }
0x7: {  	_ = 	snop  }
__scs_overlays_trampoline_lowered:
0x8: {  	[smem:$0x3FA4] =	sst s0  }
0x9: {  	[smem:$0x3FA5] =	sst s1  }
0xa: {  	[smem:$0x3FA6] =	sst s2  }
0xb: {  	[smem:$0x3FA7] =	sst s3  }
0xc: {  	[smem:$0x3FA8] =	sst s4  }
0xd: {  	[smem:$0x3FA9] =	sst s5  }
0xe: {  	[smem:$0x3FAA] =	sst s6  }
0xf: {  	[smem:$0x3FAB] =	sst s7  }
0x10: {  	[smem:$0x3FAC] =	sst s8  }
0x11: {  	[smem:$0x3FAD] =	sst s9;
	s0 =	simm.s32 @!p0 $0x0  }
0x12: {  	s1 =	sld [smem:$0x3F93];
	s0 =	simm.s32 @p0 $0x1  }
0x13: {  	[smem:$0x3FAE] =	sst s0;
	s0 =	simm.s32 @!p1 $0x0  }
0x14: {  	s2 =	sld [smem:$0x3F92];
	s0 =	simm.s32 @p1 $0x1  }
0x15: {  	[smem:$0x3FAF] =	sst s0;
	s0 =	simm.s32 @!p2 $0x0  }
0x16: {  	s3 =	sld [smem:$0x3FDB];
	s0 =	simm.s32 @p2 $0x1  }
0x17: {  	s4 =	simm.s32 $0x1BF5;
	[smem:$0x3FB1] =	sst s0  }
0x18: {  	s0 =	sld [smem:$0x3F94];
	_ =	swait.ge [sflag:s4], $0x0  }
0x19: {  	s7 =	sld [smem:$0x3F95]  }
0x1a: {  	s8 =	sadd.s32 $0xFFFFE003, lr  }
0x1b: {  	s9 =	sadd.s32 $0xFFFFFEF7, lr;
	s5 =	simm.s32 $0xFFFFFFFF;
	p2 =	slt.u32 s8, $0xFFFFF086  }
0x1c: {  	p1 =	slt.u32 s9, $0xF7A;
	s5 =	simm.s32 @!p2 $0x0  }
0x1d: {  	s5 =	simm.s32 @p1 $0x1;
	p0 =	seq.s32 s7, s2  }
0x1e: {  	s7 =	smul.u32 @!p0 $0xF7A, s2;
	p2 =	seq.s32 @!p0 s5, $0x0  }
0x1f: {  	s9 =	smul.u32 $0xF7A, s1;
	s8 =	simm.s32 @!p0 $0x1BF5;
	p2 =	por !p2, p0  }
0x20: {  	[sflag:s8] =	ssyncset.s32 @!p0 $0xFFFFF086;
	s6 =	sadd.s32 @!p0 s3, s7;
	s7 =	simm.s32 @!p0 $0x108  }
0x21: {  	s3 =	sadd.s32 s3, s9;
	s6 =	sadd.s32 @!p0 $0x88, s6;
	s7 =	simm.s32 @p2 $0x1082  }
0x22: {  	[simem:s7], [sflag:s8] =	dma.local @!p0 [hbm:s6], $0xF7A  }
0x23: {  	s9 =	sor.u32 $0xD0000000, s2;
	s6 =	simm.s32 $0x108;
	_ =	swait.ge @!p0 [sflag:s8], $0x0  }
0x24: {  	s3 =	sadd.s32 $0x88, s3;
	s6 =	simm.s32 @!p1 $0x1082;
	[sflag:s4] =	ssyncset.s32 $0xFFFFF086  }
0x25: {  	[simem:s6], [sflag:s4] =	dma.local [hbm:s3], $0xF7A  }
0x26: {  	[smem:$0x3F95] =	sst s1;
	(tag) =	ssettag s2;
	_ =	strace s9  }
0x27: {  	s1 =	sld [smem:$0x3FA5]  }
0x28: {  	s2 =	sld [smem:$0x3FA6]  }
0x29: {  	s4 =	sld [smem:$0x3FA8]  }
0x2a: {  	p0 =	seq.s32 s5, $0x0;
	s5 =	sld [smem:$0x3FA9]  }
0x2b: {  	s6 =	sld [smem:$0x3FAA]  }
0x2c: {  	s7 =	sld [smem:$0x3FAB]  }
0x2d: {  	s3 =	simm.s32 $0x108;
	s8 =	sld [smem:$0x3FAC]  }
0x2e: {  	s3 =	simm.s32 @!p0 $0x1082;
	s9 =	sld [smem:$0x3FAD]  }
0x2f: {  	lr =	sadd.s32 s0, s3;
	s0 =	sld [smem:$0x3FA4]  }
0x30: {  	s3 =	sld [smem:$0x3FA7]  }
0x31: {  	[smem:$0x3FB0] =	sst s10  }
0x32: {  	s10 =	sld [smem:$0x3FAE];
	_ =	sdelay $0x3  }
0x33: {  	p0 =	seq.s32 s10, $0x1;
	s10 =	sld [smem:$0x3FB0];
	_ =	sdelay $0x3  }
0x34: {  	[smem:$0x3FB0] =	sst s10  }
0x35: {  	s10 =	sld [smem:$0x3FAF];
	_ =	sdelay $0x3  }
0x36: {  	p1 =	seq.s32 s10, $0x1;
	s10 =	sld [smem:$0x3FB0];
	_ =	sdelay $0x3  }
0x37: {  	[smem:$0x3FB0] =	sst s10  }
0x38: {  	s10 =	sld [smem:$0x3FB1]  }
0x39: {  	_ = 	snop;
	(pc) =	sbr.ind lr, $3  }
0x3a: {  	_ = 	snop  }
0x3b: {  	_ = 	snop  }
0x3c: {  	p2 =	seq.s32 s10, $0x1;
	s10 =	sld [smem:$0x3FB0]  }
0x3d: {  	_ =	shalt  }
0x3e: {  	_ =	shalt  }
0x3f: {  	_ =	shalt  }
0x40: {  	_ =	shalt  }
0x41: {  	_ =	shalt  }
0x42: {  	_ =	shalt  }
0x43: {  	_ =	shalt  }
0x44: {  	_ =	shalt  }
0x45: {  	_ =	shalt  }
0x46: {  	_ =	shalt  }
0x47: {  	_ =	shalt  }
0x48: {  	_ =	shalt  }
0x49: {  	_ =	shalt  }
0x4a: {  	_ =	shalt  }
0x4b: {  	_ =	shalt  }
0x4c: {  	_ =	shalt  }
0x4d: {  	_ =	shalt  }
0x4e: {  	_ =	shalt  }
0x4f: {  	_ =	shalt  }
0x50: {  	_ =	shalt  }
0x51: {  	_ =	shalt  }
0x52: {  	_ =	shalt  }
0x53: {  	_ =	shalt  }
0x54: {  	_ =	shalt  }
0x55: {  	_ =	shalt  }
0x56: {  	_ =	shalt  }
0x57: {  	_ =	shalt  }
0x58: {  	_ =	shalt  }
0x59: {  	_ =	shalt  }
0x5a: {  	_ =	shalt  }
0x5b: {  	_ =	shalt  }
0x5c: {  	_ =	shalt  }
0x5d: {  	_ =	shalt  }
0x5e: {  	_ =	shalt  }
0x5f: {  	_ =	shalt  }
0x60: {  	_ =	shalt  }
0x61: {  	_ =	shalt  }
0x62: {  	_ =	shalt  }
0x63: {  	_ =	shalt  }
0x64: {  	_ =	shalt  }
0x65: {  	_ =	shalt  }
0x66: {  	_ =	shalt  }
0x67: {  	_ =	shalt  }
0x68: {  	_ =	shalt  }
0x69: {  	_ =	shalt  }
0x6a: {  	_ =	shalt  }
0x6b: {  	_ =	shalt  }
0x6c: {  	_ =	shalt  }
0x6d: {  	_ =	shalt  }
0x6e: {  	_ =	shalt  }
0x6f: {  	_ =	shalt  }
0x70: {  	_ =	shalt  }
0x71: {  	_ =	shalt  }
0x72: {  	_ =	shalt  }
0x73: {  	_ =	shalt  }
0x74: {  	_ =	shalt  }
0x75: {  	_ =	shalt  }
0x76: {  	_ =	shalt  }
0x77: {  	_ =	shalt  }
0x78: {  	_ =	shalt  }
0x79: {  	_ =	shalt  }
0x7a: {  	_ =	shalt  }
0x7b: {  	_ =	shalt  }
0x7c: {  	_ =	shalt  }
0x7d: {  	_ =	shalt  }
0x7e: {  	_ =	shalt  }
0x7f: {  	_ =	shalt  }
0x80: {  	_ =	shalt  }
0x81: {  	_ =	shalt  }
0x82: {  	_ =	shalt  }
0x83: {  	_ =	shalt  }
0x84: {  	_ =	shalt  }
0x85: {  	_ =	shalt  }
0x86: {  	_ =	shalt  }
0x87: {  	_ =	shalt  }
.Lfunc_end0:
.L_simem_size_0:
called_computation.1_lowered:
.L_overlay_start_0:
0x88: {  	s2 =	sld [smem:$0x3FD9]  }
0x89: {  	s3 =	sld [smem:$0x3FFE];
	_ =	sdelay $0x1  }
0x8a: {  	s1 =	srdreg.scid  }
0x8b: {  	s0 =	sand.u32 $0x1, s1  }
0x8c: {  	s17 =	sshll.u32 s0, $0xA;
	s2 =	sadd.s32 s3, s2  }
0x8d: {  	s2 =	sadd.s32 s2, s17  }
0x8e: {  	[smem:$0x3FBC] =	sst s2  }
0x8f: {  	_ = 	snop  }
0x90: {  	s18 =	sld [smem:$0x3FC9]  }
0x91: {  	s4 =	sld [smem:$0x3FC8]  }
0x92: {  	s5 =	sld [smem:$0x3FC7]  }
0x93: {  	s6 =	sld [smem:$0x3FC6];
	(tm) =	ssettm $0x1  }
0x94: {  	s19 =	sld [smem:$0x3FFB];
	_ =	sdelay $0x3  }
0x95: {  	_ =	strace s19  }
0x96: {  	s2 =	sld [smem:$0x3FFC];
	_ =	sdelay $0x3  }
0x97: {  	_ =	strace s2  }
0x98: {  	s2 =	sld [smem:$0x3FFD];
	_ =	sdelay $0x3  }
0x99: {  	_ =	strace s2  }
0x9a: {  	_ =	strace $0x8FFFFFFF  }
0x9b: {  	s20 =	sld [smem:$0x3FDB];
	_ =	sdelay $0x1  }
0x9c: {  	s7 =	simm.s32 $_scs_section_size  }
0x9d: {  	s8 =	simm.s32 $_size__tile_overlayer_lowered;
	s9 =	simm.s32 $_tile_overlayer_lowered  }
0x9e: {  	s10 =	simm.s32 $0x1BFF;
	s21 =	sshll.u32 s9, $0x1;
	s7 =	sadd.s32 s7, s20  }
0x9f: {  	s22 =	simm.s32 $0x0;
	s8 =	sshll.u32 s8, $0x1;
	s9 =	sadd.s32 s21, s7  }
0xa0: {  	[timem:s22], [sflag:s10] =	dma.local [hbm:s9], s8  }
0xa1: {  	_ =	swait.ge [sflag:s10], s8  }
0xa2: {  	s8 =	ssub.s32 $0x0, s8;
	[sflag:s10] =	ssyncset.done $0x0  }
0xa3: {  	[sflag:s10] =	ssyncadd.s32 s8;
	_ =	sdelay $0x1  }
0xa4: {  	s23 =	simm.s32 $0x1B8B  }
0xa5: {  	_ =	swait.ge [sflag:s23], $0x1  }
0xa6: {  	[sflag:s23] =	ssyncset.done $0x0  }
0xa7: {  	[sflag:s23] =	ssyncadd.s32 $0xFFFFFFFF  }
0xa8: {  	s8 =	sld [smem:$0x0]  }
0xa9: {  	s9 =	sand.u32 $0xFFFFFFFE, s1  }
0xaa: {  	p0 =	sne.s32 s1, s9  }
0xab: {  	s9 =	sshll.u32 @p0 s9, $0xE  }
0xac: {  	s9 =	sadd.s32 @p0 $0x11B8D, s9;
	s10 =	sshll.u32 @p0 s8, $0x11  }
0xad: {  	s9 =	sor.u32 @p0 s10, s9  }
0xae: {  	[sflag:s9] =	ssyncadd.remote.s32 @p0 $0x1;
	_ =	sdelay $0x1  }
0xaf: {  	s9 =	simm.s32 @p0 $0x1B8D  }
0xb0: {  	_ =	swait.eq @p0 [sflag:s9], $0x1  }
0xb1: {  	[sflag:s9] =	ssyncadd.s32 @p0 $0xFFFFFFFF  }
0xb2: {  	s10 =	sshll.u32 @!p0 s1, $0xE  }
0xb3: {  	s10 =	sor.u32 @!p0 $0x4000, s10;
	s9 =	simm.s32 @!p0 $0x1B8D  }
0xb4: {  	s8 =	sshll.u32 @!p0 s8, $0x11;
	s10 =	sadd.s32 @!p0 $0x11B8D, s10;
	_ =	swait.eq @!p0 [sflag:s9], $0x1  }
0xb5: {  	s8 =	sor.u32 @!p0 s8, s10;
	[sflag:s9] =	ssyncadd.s32 @!p0 $0xFFFFFFFF  }
0xb6: {  	s25 =	simm.s32 $0x1B8E;
	s24 =	sld [smem:$0x3FFE];
	[sflag:s8] =	ssyncadd.remote.s32 @!p0 $0x1  }
0xb7: {  	s26 =	simm.s32 $execute0_lowered;
	[smem:$0x3FD2] =	sst s25  }
0xb8: {  	s9 =	sshll.u32 s26, $0x1;
	_ =	strace $0x80000049;
	[dreg:$0x1] =	wrdreg $0xFFFFFFFF  }
0xb9: {  	s28 =	simm.s32 $_size_execute0_lowered;
	s7 =	sadd.s32 s7, s9;
	[dreg:$0x0] =	wrdreg $0x0  }
0xba: {  	s9 =	sshll.u32 s28, $0x1;
	[dreg:$0x2] =	wrdreg s7  }
0xbb: {  	[dreg:$0x3] =	wrdreg s9  }
0xbc: {  	[dreg:$0x4] =	wrdreg $0xC0  }
0xbd: {  	_ =	task [dreg:s22], $0x5FFFF  }
0xbe: {  	[dreg:$0x1] =	wrdreg $0xFFFFFFFF  }
0xbf: {  	[dreg:$0x0] =	wrdreg $0x60  }
0xc0: {  	[dreg:$0x2] =	wrdreg s18  }
0xc1: {  	[dreg:$0x3] =	wrdreg s4  }
0xc2: {  	[dreg:$0x4] =	wrdreg s5  }
0xc3: {  	[dreg:$0x5] =	wrdreg s6  }
0xc4: {  	[dreg:$0x6] =	wrdreg s24  }
0xc5: {  	[dreg:$0x7] =	wrdreg $0xA  }
0xc6: {  	_ =	task.clear_ibuf [dreg:s22], $0x8FFFF;
	_ =	strace $0x90000049  }
0xc7: {  	s29 =	simm.s32 $0xA;
	_ =	strace $0x8000004B  }
0xc8: {  	_ =	swait.ge [sflag:s29], $0x1  }
0xc9: {  	[sflag:s29] =	ssyncadd.s32 $0xFFFFFFFF  }
0xca: {  	_ =	strace $0x9000004B  }
0xcb: {  	_ =	sfence  }
0xcc: {  	s30 =	sld [smem:$0x0];
	_ =	sdelay $0x2  }
0xcd: {  	s31 =	sshll.u32 s1, $0xD;
	s1 =	sshrl.u32 s1, $0x2  }
0xce: {  	s4 =	sand.u32 $0x4000, s31;
	s1 =	sadd.s32 s1, s30  }
0xcf: {  	s0 =	sor.u32 s4, s0;
	s1 =	sshll.u32 s1, $0x11  }
0xd0: {  	s0 =	sor.u32 s1, s0  }
0xd1: {  	s0 =	sadd.s32 $0x8F2B, s0  }
0xd2: {  	[sflag:s0] =	ssyncadd.remote.s32 $0x1  }
0xd3: {  	_ =	sfence.sel $0xFFFF  }
0xd4: {  	[dreg:$0x0] =	wrdreg $0xFFFFFFFF;
	(pc) =	sbr.abs _section_cstart, $3  }
0xd5: {  	[dreg:$0x1] =	wrdreg $0xFFFFFFFF  }
0xd6: {  	_ =	task.clear_ibuf [dreg:s22], $0x2FFFF;
	_ =	strace $0x9FFFFFFF  }
0xd7: {  	(tm) =	ssettm $0x7FFFFFFF  }
tec
execute0_lowered:
.L_overlay_start_1:
0x0: {  	(tag) =	ssettag $0x1  }
0x1: {  	s5 =	rddreg [dreg:$0x0]  }
0x2: {  	s7 =	rddreg [dreg:$0x1]  }
0x3: {  	s1 =	rddreg [dreg:$0x2]  }
0x4: {  	s2 =	srdreg.scid;
	s0 =	stileid.u32  }
0x5: {  	s3 =	rddreg [dreg:$0x3];
	s23 =	sand.u32 $0x1, s2;
	s31 =	sshll.u32 s0, $0x1  }
0x6: {  	s16 =	rddreg [dreg:$0x4];
	s17 =	sor.u32 s23, s31  }
0x7: {  	s4 =	simm.s32 $0x0;
	s2 =	rddreg [dreg:$0x5];
	s6 =	sshll.u32 s17, $0x5  }
0x8: {  	[smem:$0x7FF] =	sst s4;
	s8 =	sor.u32 $0x400, s6  }
0x9: {  	_ =	strace $0x8000004A;
	s6 =	simm.s32 $0x3;
	s5 =	sadd.s32 s5, s8  }
0xa: {  	[tilespmem:s4], [sflag:$0x3] =	stream.linear.gather [hbm4b:s5+s4], $0x100, $0x38;
	[tilespmem:$0x10200] =	vst v63  }
0xb: {  	_ =	swait.ge [sflag:s6], $0x100  }
0xc: {  	[sflag:s6] =	ssyncset.done $0x0  }
0xd: {  	s7 =	sadd.s32 s7, s8;
	s8 =	simm.s32 $0x100;
	[sflag:s6] =	ssyncadd.s32 $0xFFFFFF00  }
0xe: {  	[tilespmem:s8], [sflag:$0x3] =	stream.linear.gather [hbm4b:s7+s4], $0x100, $0x38;
	[tilespmem:$0x10200] =	vst v63  }
0xf: {  	_ =	swait.ge [sflag:s6], $0x100  }
0x10: {  	[sflag:s6] =	ssyncset.done $0x0  }
0x11: {  	s9 =	simm.s32 $0x80;
	s10 =	simm.s32 $0x200;
	[sflag:s6] =	ssyncadd.s32 $0xFFFFFF00  }
0x12: {  	[tilespmem:s10], [sflag:$0x1] =	stream.indirect.gather [hbm4b:s1+s9], $0x80, s4, s9, $0xb8;
	[tilespmem:$0x10200] =	vst v63  }
0x13: {  	s11 =	simm.s32 $0x8200  }
0x14: {  	[tilespmem:s11], [sflag:$0x1] =	stream.indirect.gather [hbm4b:s3+s9], $0x80, s8, s9, $0xb8;
	[tilespmem:$0x10200] =	vst v63  }
0x15: {  	s12 =	simm.s32 $0x4200  }
0x16: {  	[tilespmem:s12], [sflag:$0x1] =	stream.indirect.gather [hbm4b:s1+s9], $0x80, s9, s9, $0xb8;
	[tilespmem:$0x10200] =	vst v63  }
0x17: {  	s13 =	simm.s32 $0x180;
	s14 =	simm.s32 $0xC200;
	s15 =	simm.s32 $0x1  }
0x18: {  	[tilespmem:s14], [sflag:$0x1] =	stream.indirect.gather [hbm4b:s3+s9], $0x80, s13, s9, $0xb8;
	[tilespmem:$0x10200] =	vst v63  }
0x19: {  	_ =	swait.ge [sflag:s15], $0x4000  }
0x1a: {  	[sflag:s15] =	ssyncset.done $0x0  }
0x1b: {  	[sflag:s15] =	ssyncadd.s32 $0xFFFFC000  }
0x1c: {  	s17 =	sshll.u32 s17, $0xD;
	_ =	swait.ge [sflag:s15], $0x4000  }
0x1d: {  	s18 =	simm.s32 $0x800;
	s21 =	sadd.s32 s17, s16;
	[sflag:s15] =	ssyncset.done $0x0  }
0x1e: {  	s17 =	simm.s32 $0x400;
	s16 =	sadd.s32 $0x41A00, s21;
	[sflag:s15] =	ssyncadd.s32 $0xFFFFC000  }
0x1f: {  	[hbm4b:s16+s17] =	stream.strided.scatter [tilespmem:s10], [sflag:$0x2], $0x4000, s18, s17, $0x38;
	[tilespmem:$0x10200] =	vst v63  }
0x20: {  	s19 =	sadd.s32 $0x41A80, s21  }
0x21: {  	[hbm4b:s19+s17] =	stream.strided.scatter [tilespmem:s11], [sflag:$0x2], $0x4000, s18, s17, $0x38;
	[tilespmem:$0x10200] =	vst v63  }
0x22: {  	_ =	swait.ge [sflag:s15], $0x4000  }
0x23: {  	[sflag:s15] =	ssyncset.done $0x0  }
0x24: {  	[sflag:s15] =	ssyncadd.s32 $0xFFFFC000  }
0x25: {  	_ =	swait.ge [sflag:s15], $0x4000  }
0x26: {  	[sflag:s15] =	ssyncset.done $0x0  }
0x27: {  	s20 =	sadd.s32 $0x42A00, s21;
	[sflag:s15] =	ssyncadd.s32 $0xFFFFC000  }
0x28: {  	[hbm4b:s20+s17] =	stream.strided.scatter [tilespmem:s12], [sflag:$0x2], $0x4000, s18, s17, $0x38;
	[tilespmem:$0x10200] =	vst v63  }
0x29: {  	s22 =	sadd.s32 $0x42A80, s21;
	s21 =	simm.s32 $0x2  }
0x2a: {  	[hbm4b:s22+s17] =	stream.strided.scatter [tilespmem:s14], [sflag:$0x2], $0x4000, s18, s17, $0x38;
	[tilespmem:$0x10200] =	vst v63  }
0x2b: {  	_ =	swait.ge [sflag:s21], $0x4000  }
0x2c: {  	s23 =	ssub.s32 $0x2, s23;
	[sflag:s21] =	ssyncset.done $0x0  }
0x2d: {  	s24 =	sshrl.u32 s23, $0x1;
	[sflag:s21] =	ssyncadd.s32 $0xFFFFC000  }
0x2e: {  	s23 =	ssub.s32 s23, s24;
	_ =	swait.ge [sflag:s21], $0x4000  }
0x2f: {  	s23 =	smax.u32 s23, $0x1;
	[sflag:s21] =	ssyncset.done $0x0  }
0x30: {  	p0 =	sne.s32 s23, $0x1;
	[sflag:s21] =	ssyncadd.s32 $0xFFFFC000  }
.Ltmp0:
0x31: {  	_ =	swait.ge [sflag:s21], $0x4000;
	(pc) =	sbr.rel @!p0 .LBB2_2-.Ltmp0, $4  }
0x32: {  	[sflag:s21] =	ssyncset.done $0x0  }
0x33: {  	[sflag:s21] =	ssyncadd.s32 $0xFFFFC000  }
0x34: {  	_ =	swait.ge [sflag:s21], $0x4000  }
0x35: {  	s23 =	sadd.s32 $0xFFFFFFFF, s23;
	[sflag:s21] =	ssyncset.done $0x0  }
.LBB2_1:
0x36: {  	p0 =	sne.s32 s23, $0x1;
	s23 =	sadd.s32 $0xFFFFFFFF, s23;
	[sflag:s21] =	ssyncadd.s32 $0xFFFFC000  }
0x37: {  	[tilespmem:s4], [sflag:$0x3] =	stream.linear.gather [hbm4b:s5+s4], $0x100, $0x38;
	[tilespmem:$0x10200] =	vst v63  }
0x38: {  	_ =	swait.ge [sflag:s6], $0x100  }
0x39: {  	[sflag:s6] =	ssyncset.done $0x0  }
0x3a: {  	[sflag:s6] =	ssyncadd.s32 $0xFFFFFF00  }
0x3b: {  	[tilespmem:s8], [sflag:$0x3] =	stream.linear.gather [hbm4b:s7+s4], $0x100, $0x38;
	[tilespmem:$0x10200] =	vst v63  }
0x3c: {  	_ =	swait.ge [sflag:s6], $0x100  }
0x3d: {  	[sflag:s6] =	ssyncset.done $0x0  }
0x3e: {  	[sflag:s6] =	ssyncadd.s32 $0xFFFFFF00  }
0x3f: {  	[tilespmem:s10], [sflag:$0x1] =	stream.indirect.gather [hbm4b:s1+s9], $0x80, s4, s9, $0xb8;
	[tilespmem:$0x10200] =	vst v63  }
0x40: {  	_ = 	snop  }
0x41: {  	[tilespmem:s11], [sflag:$0x1] =	stream.indirect.gather [hbm4b:s3+s9], $0x80, s8, s9, $0xb8;
	[tilespmem:$0x10200] =	vst v63  }
0x42: {  	_ = 	snop  }
0x43: {  	[tilespmem:s12], [sflag:$0x1] =	stream.indirect.gather [hbm4b:s1+s9], $0x80, s9, s9, $0xb8;
	[tilespmem:$0x10200] =	vst v63  }
0x44: {  	_ = 	snop  }
0x45: {  	[tilespmem:s14], [sflag:$0x1] =	stream.indirect.gather [hbm4b:s3+s9], $0x80, s13, s9, $0xb8;
	[tilespmem:$0x10200] =	vst v63  }
0x46: {  	_ =	swait.ge [sflag:s15], $0x4000  }
0x47: {  	[sflag:s15] =	ssyncset.done $0x0  }
0x48: {  	[sflag:s15] =	ssyncadd.s32 $0xFFFFC000  }
0x49: {  	_ =	swait.ge [sflag:s15], $0x4000  }
0x4a: {  	[sflag:s15] =	ssyncset.done $0x0  }
0x4b: {  	[sflag:s15] =	ssyncadd.s32 $0xFFFFC000  }
0x4c: {  	[hbm4b:s16+s17] =	stream.strided.scatter [tilespmem:s10], [sflag:$0x2], $0x4000, s18, s17, $0x38;
	[tilespmem:$0x10200] =	vst v63  }
0x4d: {  	_ = 	snop  }
0x4e: {  	[hbm4b:s19+s17] =	stream.strided.scatter [tilespmem:s11], [sflag:$0x2], $0x4000, s18, s17, $0x38;
	[tilespmem:$0x10200] =	vst v63  }
0x4f: {  	_ =	swait.ge [sflag:s15], $0x4000  }
0x50: {  	[sflag:s15] =	ssyncset.done $0x0  }
0x51: {  	[sflag:s15] =	ssyncadd.s32 $0xFFFFC000  }
0x52: {  	_ =	swait.ge [sflag:s15], $0x4000  }
0x53: {  	[sflag:s15] =	ssyncset.done $0x0  }
0x54: {  	[sflag:s15] =	ssyncadd.s32 $0xFFFFC000  }
0x55: {  	[hbm4b:s20+s17] =	stream.strided.scatter [tilespmem:s12], [sflag:$0x2], $0x4000, s18, s17, $0x38;
	[tilespmem:$0x10200] =	vst v63  }
0x56: {  	_ = 	snop  }
0x57: {  	[hbm4b:s22+s17] =	stream.strided.scatter [tilespmem:s14], [sflag:$0x2], $0x4000, s18, s17, $0x38;
	[tilespmem:$0x10200] =	vst v63  }
0x58: {  	_ =	swait.ge [sflag:s21], $0x4000  }
0x59: {  	[sflag:s21] =	ssyncset.done $0x0  }
0x5a: {  	[sflag:s21] =	ssyncadd.s32 $0xFFFFC000  }
0x5b: {  	_ =	swait.ge [sflag:s21], $0x4000  }
0x5c: {  	[sflag:s21] =	ssyncset.done $0x0  }
0x5d: {  	[sflag:s21] =	ssyncadd.s32 $0xFFFFC000  }
.Ltmp1:
0x5e: {  	_ =	swait.ge [sflag:s21], $0x4000;
	(pc) =	sbr.rel @p0 .LBB2_1-.Ltmp1, $4  }
0x5f: {  	[sflag:s21] =	ssyncset.done $0x0  }
0x60: {  	[sflag:s21] =	ssyncadd.s32 $0xFFFFC000  }
0x61: {  	_ =	swait.ge [sflag:s21], $0x4000  }
0x62: {  	[sflag:s21] =	ssyncset.done $0x0  }
.LBB2_2:
0x63: {  	[sflag:s21] =	ssyncadd.s32 $0xFFFFC000  }
0x64: {  	_ =	sfence.sel $0x180000  }
0x65: {  	[bflag:$0x0] =	sbarrier.arrive $0xFFFF  }
0x66: {  	p0 =	sne.s32 s0, $0x0;
	_ =	strace $0x9000004A  }
0x67: {  	s0 =	sadd.s32 @!p0 $0x100000, s2;
	[bflag:$0x2] =	sbarrier.arrive $0xFFFF  }
0x68: {  	[sflag:s0] =	ssyncadd.tile.s32 @!p0 $0x1;
	_ =	shalt  }
.Lfunc_end2:
_tile_overlayer_lowered:
.L_overlay_start_2:
0x69: {  	(tag) =	ssettag $0x2  }
0x6a: {  	s0 =	rddreg [dreg:$0x0];
	s2 =	stileid.u32  }
0x6b: {  	s1 =	rddreg [dreg:$0x1];
	p0 =	sne.s32 s2, $0x0  }
0x6c: {  	s3 =	rddreg [dreg:$0x2];
	[bflag:$0x3] =	sbarrier.arrive $0xFFFF;
	s2 =	simm.s32 @!p0 $0x1C03  }
0x6d: {  	[timem:s3], [sflag:s2] =	dma.local @!p0 [hbm:s0], s1  }
0x6e: {  	s0 =	simm.s32 @!p0 $0x3  }
0x6f: {  	_ =	swait.ge @!p0 [sflag:s0], s1  }
0x70: {  	s1 =	ssub.s32 @!p0 $0x0, s1;
	[sflag:s0] =	ssyncset.done @!p0 $0x0  }
0x71: {  	[sflag:s0] =	ssyncadd.s32 @!p0 s1  }
0x72: {  	[bflag:$0x3] =	sbarrier.arrive $0xFFFF  }
0x73: {  	_ =	shalt  }

</sc_bundles>
